<compile_context>
chip_gen: v7x
topology: tpu7x:2x2x1
jax: 0.10.2.dev20260603
libtpu: 0.0.44.dev20260713+nightly
codegen_flags: <defaults>
</compile_context>

<pallas_src>
import functools

import jax
import jax.numpy as jnp
from jax import lax
from jax.experimental import pallas as pl
from jax.experimental.pallas import tpu as pltpu
from jax.experimental.pallas import tpu_sc as plsc

B = 16384
V = 1000000
D = 16
NS = 26
DENSE = 13

TCB = 8192
TGRID = 62
VPAD = TGRID * TCB
UNITS = VPAD * 8

NW = 32
BPW = B // NW
CHUNK = 8
NPLANE = 4
EPW = NPLANE * BPW * 8
GCHUNKS = 16


def _tr_body(in_ref, out_ref):
    x = in_ref[...]
    z = jnp.concatenate([x[:, :TCB].T, x[:, TCB:].T], axis=1)
    out_ref[...] = jnp.pad(z, ((0, 0), (0, 96)))


def _tc_repack_table(tT):
    return pl.pallas_call(
        _tr_body,
        grid=(TGRID,),
        in_specs=[pl.BlockSpec((16, 2 * TCB), lambda i: (0, i))],
        out_specs=pl.BlockSpec((TCB, 128), lambda i: (i, 0)),
        out_shape=jax.ShapeDtypeStruct((VPAD, 128), jnp.float32),
    )(tT)


def _sc_gather(table, sparse):
    mesh = plsc.VectorSubcoreMesh(core_axis_name="c", subcore_axis_name="s")

    @functools.partial(
        pl.kernel,
        mesh=mesh,
        out_type=jax.ShapeDtypeStruct((NPLANE * B // 16, 128, D), jnp.float32),
        scratch_types=[
            pltpu.VMEM((NS, BPW), jnp.int32),
            pltpu.VMEM((EPW // 128, 128), jnp.int32),
            pltpu.VMEM((CHUNK, 128, D), jnp.float32),
            pltpu.VMEM((CHUNK, 128, D), jnp.float32),
            pltpu.SemaphoreType.DMA,
            pltpu.SemaphoreType.DMA,
        ],
        compiler_params=pltpu.CompilerParams(
            use_tc_tiling_on_sc=False, needs_layout_passes=False),
    )
    def k(table_hbm, idx_hbm, out_hbm, slab_v, idx_v, rows_a, rows_b,
          sem_g, sem_o):
        wid = lax.axis_index("s") * 2 + lax.axis_index("c")
        base_b = wid * BPW

        pltpu.sync_copy(idx_hbm.at[:, pl.ds(base_b, BPW)], slab_v)

        lanes = lax.iota(jnp.int32, 16)

        def transpose_step(t, carry):
            s32 = t // (BPW // 16)
            j = t % (BPW // 16)
            s = jnp.minimum(s32, NS - 1)
            v = slab_v[s, pl.ds(j * 16, 16)]
            vals = (((v >> 14) << 16) | ((v & 8191) << 3) | ((v >> 13) & 1))
            e = (s32 // 8) * (BPW * 8) + (j * 16 + lanes) * 8 + (s32 % 8)
            plsc.store_scatter(idx_v, [e >> 7, e & 127], vals)
            return carry

        lax.fori_loop(0, 32 * (BPW // 16), transpose_step, 0)

        def out_dst(c):
            row0 = (c // 4) * 1024 + wid * 32 + (c % 4) * CHUNK
            return out_hbm.at[pl.ds(row0, CHUNK)]

        bufs = (rows_a, rows_b)
        for c in range(GCHUNKS):
            buf = bufs[c % 2]
            r0 = c * CHUNK
            if c >= 2:
                pltpu.make_async_copy(buf, out_dst(c - 2), sem_o).wait()

            def fire(j, carry, buf=buf, r0=r0):
                pltpu.async_copy(
                    table_hbm.at[idx_v.at[r0 + j]], buf.at[j], sem_g)
                return carry

            lax.fori_loop(0, CHUNK, fire, 0)
            pltpu.make_async_copy(out_dst(c), buf, sem_g).wait()
            pltpu.async_copy(buf, out_dst(c), sem_o)

        for c in (GCHUNKS - 2, GCHUNKS - 1):
            pltpu.make_async_copy(bufs[c % 2], out_dst(c), sem_o).wait()

    return k(table, sparse)


def _dotT(x, w):
    return lax.dot_general(x, w, (((1,), (1,)), ((), ())),
                           preferred_element_type=jnp.float32)


def _mlp_body(emb_ref, den_ref, w0e, w0d, b0r, w1, b1r, w2, b2r, w3, b3r,
              w4, ww, blast_ref, out_ref):
    x4 = emb_ref[...]
    d = den_ref[...]
    w0p = w0e[...]
    h = _dotT(x4[0], w0p[:, :128])
    for t in range(1, NPLANE):
        h = h + _dotT(x4[t], w0p[:, t * 128:(t + 1) * 128])
    h = h + _dotT(d, w0d[...]) + b0r[...]
    h = jnp.maximum(h, 0.0)
    h = jnp.maximum(_dotT(h, w1[...]) + b1r[...], 0.0)
    h = jnp.maximum(_dotT(h, w2[...]) + b2r[...], 0.0)
    h = jnp.maximum(_dotT(h, w3[...]) + b3r[...], 0.0)
    y = _dotT(h, w4[...])
    wide = _dotT(d, ww[...])
    out_ref[...] = y + wide + blast_ref[0]


def _tc_mlp(emb, dense, w0e, w0d, b0, w1, b1, w2, b2, w3, b3, w4, ww, blast):
    BM = 2048
    grid = (B // BM,)

    def const(shape):
        return pl.BlockSpec(shape, lambda i: (0, 0))

    return pl.pallas_call(
        _mlp_body,
        grid=grid,
        in_specs=[
            pl.BlockSpec((NPLANE, BM, 128), lambda i: (0, i, 0)),
            pl.BlockSpec((BM, DENSE), lambda i: (i, 0)),
            const((512, NPLANE * 128)),
            const((512, DENSE)),
            const((1, 512)),
            const((256, 512)),
            const((1, 256)),
            const((128, 256)),
            const((1, 128)),
            const((32, 128)),
            const((1, 32)),
            const((1, 32)),
            const((1, DENSE)),
            pl.BlockSpec(memory_space=pltpu.SMEM),
        ],
        out_specs=pl.BlockSpec((BM, 1), lambda i: (i, 0)),
        out_shape=jax.ShapeDtypeStruct((B, 1), jnp.float32),
    )(emb, dense, w0e, w0d, b0, w1, b1, w2, b2, w3, b3, w4, ww, blast)


def kernel(dense_feature, sparse_feature, table, Ww, bw, W0, b0, W1, b1, W2,
           b2, W3, b3, W4, b4):
    table_rm = _tc_repack_table(table.T)
    table8 = table_rm.reshape(-1).reshape(UNITS, D)
    emb4 = _sc_gather(table8, sparse_feature).reshape(NPLANE, B, 128)
    w0p = jnp.pad(W0[:, : NS * D], ((0, 0), (0, NPLANE * 128 - NS * D)))
    out = _tc_mlp(
        emb4, dense_feature,
        w0p, W0[:, NS * D:], b0.reshape(1, -1),
        W1, b1.reshape(1, -1),
        W2, b2.reshape(1, -1),
        W3, b3.reshape(1, -1),
        W4, Ww, (b4 + bw).reshape(1),
    )
    return out

# --- scband reference (transcript-rebuilt; emitter-appended) ---
"""Pipeline reference for scband-wide-deep-5798205849708 (READ-ONLY COPY).

The authoritative reference and input builder live on the scoring server;
editing this copy changes nothing except your own understanding.
"""

import jax, jax.numpy as jnp
import numpy as np

B = 16384
V = 1000000
D = 16
NS = 26
DENSE = 13
DIMS = [NS * D + DENSE, 512, 256, 128, 32, 1]


def setup_inputs(seed: int = 0) -> dict:
    key = jax.random.key(seed)
    inp = {}
    inp["dense_feature"] = jax.random.normal(jax.random.fold_in(key, 0), (B, DENSE), dtype=jnp.float32)
    inp["sparse_feature"] = jax.random.randint(jax.random.fold_in(key, 1), (NS, B), 0, V, dtype=jnp.int32)
    inp["table"] = jax.random.normal(jax.random.fold_in(key, 2), (V, D), dtype=jnp.float32) * 0.01
    inp["Ww"] = jax.random.normal(jax.random.fold_in(key, 3), (1, DENSE), dtype=jnp.float32) / np.sqrt(DENSE)
    inp["bw"] = jnp.zeros((1,), dtype=jnp.float32)
    for i in range(5):
        inp["W%d" % i] = jax.random.normal(jax.random.fold_in(key, 10 + i), (DIMS[i + 1], DIMS[i]), dtype=jnp.float32) / np.sqrt(DIMS[i])
        inp["b%d" % i] = jnp.zeros((DIMS[i + 1],), dtype=jnp.float32)
    return inp


def reference(dense_feature, sparse_feature, table, Ww, bw, W0, b0, W1, b1, W2, b2, W3, b3, W4, b4):
    # wide part: Linear(dense_feature_num -> 1)
    wide = dense_feature @ Ww.T + bw
    # embedding lookup for each of the NS sparse fields; concat in field order
    emb = jnp.take(table, sparse_feature, axis=0)  # [NS, B, D]
    emb = jnp.transpose(emb, (1, 0, 2)).reshape(dense_feature.shape[0], NS * D)
    x = jnp.concatenate([emb, dense_feature], axis=1)  # [B, NS*D + DENSE]
    layers = [(W0, b0), (W1, b1), (W2, b2), (W3, b3), (W4, b4)]
    for i, (W, b) in enumerate(layers):
        x = x @ W.T + b
        if i < len(layers) - 1:
            x = jax.nn.relu(x)
    logits = wide + x
    return logits

if __name__ == "__main__":
    import jax
    _d = setup_inputs()
    print(jax.jit(kernel)(*tuple(_d.values())))

</pallas_src>

<mosaic_0001>
#map = affine_map<(d0, d1) -> (0, 0)>
#map1 = affine_map<(d0, d1) -> (0, 0, 0)>
module attributes {stable_mosaic.version = 14 : i64} {
  func.func @k(%arg0: i32, %arg1: i32, %arg2: memref<4063232x16xf32, #tpu.memory_space<hbm>>, %arg3: memref<26x16384xi32, #tpu.memory_space<hbm>>, %arg4: memref<4096x128x16xf32, #tpu.memory_space<hbm>>, %arg5: memref<26x512xi32, #tpu.memory_space<vmem>>, %arg6: memref<128x128xi32, #tpu.memory_space<vmem>>, %arg7: memref<8x128x16xf32, #tpu.memory_space<vmem>>, %arg8: memref<8x128x16xf32, #tpu.memory_space<vmem>>, %arg9: memref<!tpu.dma_semaphore, #tpu.memory_space<semaphore_mem>>, %arg10: memref<!tpu.dma_semaphore, #tpu.memory_space<semaphore_mem>>) attributes {dimension_semantics = [#tpu.dimension_semantics<core_parallel>, #tpu.dimension_semantics<subcore_parallel>], iteration_bounds = array<i64: 2, 16>, scalar_prefetch = 0 : i64, scratch_operands = 6 : i64, tpu.core_type = #tpu.core_type<sc_vector_subcore>, window_params = [{transform_indices = #map}, {transform_indices = #map}, {transform_indices = #map1}]} {
    %mul3A = arith.constant 2 : i32
    %mul3A_0 = arith.muli %arg1, %mul3A : i32
    %add3A = arith.addi %mul3A_0, %arg0 : i32
    %mul3A_1 = arith.constant 512 : i32
    %mul3A_2 = arith.muli %add3A, %mul3A_1 : i32
    "tpu.region"() ({
      %run_scoped3A = tpu.sem_alloc : memref<!tpu.dma_semaphore, #tpu.memory_space<semaphore_mem>>
      %dma_start3A_678 = arith.constant 0 : i32
      %dma_start3A_679 = tpu.memref_slice %arg3[%dma_start3A_678, %mul3A_2] : memref<26x16384xi32, #tpu.memory_space<hbm>> -> memref<26x512xi32, #tpu.memory_space<hbm>>
      %dma_start3A_680 = arith.constant 0 : i32
      %dma_start3A_681 = tpu.memref_slice %arg3[%dma_start3A_680, %mul3A_2] : memref<26x16384xi32, #tpu.memory_space<hbm>> -> memref<26x512xi32, #tpu.memory_space<hbm>>
      tpu.enqueue_dma source(%dma_start3A_681 : memref<26x512xi32, #tpu.memory_space<hbm>>) target(%arg5 : memref<26x512xi32, #tpu.memory_space<vmem>>) target_semaphore(%run_scoped3A : memref<!tpu.dma_semaphore, #tpu.memory_space<semaphore_mem>>)
      %dma_wait3A_682 = arith.constant 0 : i32
      %dma_wait3A_683 = tpu.memref_slice %arg3[%dma_wait3A_682, %mul3A_2] : memref<26x16384xi32, #tpu.memory_space<hbm>> -> memref<26x512xi32, #tpu.memory_space<hbm>>
      %dma_wait3A_684 = arith.constant 0 : i32
      %dma_wait3A_685 = tpu.memref_slice %arg3[%dma_wait3A_684, %mul3A_2] : memref<26x16384xi32, #tpu.memory_space<hbm>> -> memref<26x512xi32, #tpu.memory_space<hbm>>
      tpu.wait_dma2 semaphore(%run_scoped3A : memref<!tpu.dma_semaphore, #tpu.memory_space<semaphore_mem>>) src(%dma_wait3A_685 : memref<26x512xi32, #tpu.memory_space<hbm>>) dst(%arg5 : memref<26x512xi32, #tpu.memory_space<vmem>>)
      tpu.yield
    }) : () -> ()
    %iota3A = tpu.iota {dimensions = array<i32: 0>} : vector<16xi32>
    %scan3A = arith.constant 0 : i32
    %scan3A_3 = arith.constant 0 : i32
    %scan3A_4 = arith.constant 1024 : i32
    %scan3A_5 = arith.addi %scan3A_3, %scan3A_4 : i32
    %scan3A_6 = arith.constant 1 : i32
    scf.for %scan3A_678 = %scan3A_3 to %scan3A_5 step %scan3A_6  : i32 {
      %jit3A = arith.constant 32 : i32
      %div3A = arith.divsi %scan3A_678, %jit3A : i32
      %sign3A = arith.constant 0 : i32
      %sign3A_679 = arith.cmpi sgt, %scan3A_678, %sign3A : i32
      %sign3A_680 = arith.extui %sign3A_679 : i1 to i32
      %sign3A_681 = arith.constant 0 : i32
      %sign3A_682 = arith.cmpi slt, %scan3A_678, %sign3A_681 : i32
      %sign3A_683 = arith.extui %sign3A_682 : i1 to i32
      %sign3A_684 = arith.subi %sign3A_680, %sign3A_683 : i32
      %sign3A_685 = arith.constant 0 : i32
      %sign3A_686 = arith.cmpi sgt, %jit3A, %sign3A_685 : i32
      %sign3A_687 = arith.extui %sign3A_686 : i1 to i32
      %sign3A_688 = arith.constant 0 : i32
      %sign3A_689 = arith.cmpi slt, %jit3A, %sign3A_688 : i32
      %sign3A_690 = arith.extui %sign3A_689 : i1 to i32
      %sign3A_691 = arith.subi %sign3A_687, %sign3A_690 : i32
      %ne3A = arith.cmpi ne, %sign3A_684, %sign3A_691 : i32
      %rem3A = arith.remsi %scan3A_678, %jit3A : i32
      %ne3A_692 = arith.constant 0 : i32
      %ne3A_693 = arith.cmpi ne, %rem3A, %ne3A_692 : i32
      %and3A = arith.andi %ne3A, %ne3A_693 : i1
      %sub3A = arith.constant 1 : i32
      %sub3A_694 = arith.subi %div3A, %sub3A : i32
      %select_n3A = arith.select %and3A, %sub3A_694, %div3A : i32
      %jit3A_695 = arith.constant 32 : i32
      %eq3A = arith.constant 0 : i32
      %eq3A_696 = arith.cmpi eq, %jit3A_695, %eq3A : i32
      %jit3A_697 = arith.constant 1 : i32
      %select_n3A_698 = arith.select %eq3A_696, %jit3A_697, %jit3A_695 : i32
      %rem3A_699 = arith.remsi %scan3A_678, %select_n3A_698 : i32
      %ne3A_700 = arith.constant 0 : i32
      %ne3A_701 = arith.cmpi ne, %rem3A_699, %ne3A_700 : i32
      %lt3A = arith.constant 0 : i32
      %lt3A_702 = arith.cmpi slt, %rem3A_699, %lt3A : i32
      %lt3A_703 = arith.constant 0 : i32
      %lt3A_704 = arith.cmpi slt, %select_n3A_698, %lt3A_703 : i32
      %ne3A_705 = arith.xori %lt3A_702, %lt3A_704 : i1
      %and3A_706 = arith.andi %ne3A_705, %ne3A_701 : i1
      %add3A_707 = arith.addi %rem3A_699, %select_n3A_698 : i32
      %select_n3A_708 = arith.select %and3A_706, %add3A_707, %rem3A_699 : i32
      %min3A = arith.constant 25 : i32
      %min3A_709 = arith.minsi %select_n3A, %min3A : i32
      %mul3A_710 = arith.constant 16 : i32
      %mul3A_711 = arith.muli %select_n3A_708, %mul3A_710 : i32
      %get3A = arith.index_cast %min3A_709 : i32 to index
      %get3A_712 = arith.index_cast %mul3A_711 : i32 to index
      %get3A_713 = tpu.vector_load %arg5[%get3A, %get3A_712] {strides = array<i32>} : memref<26x512xi32, #tpu.memory_space<vmem>>, vector<16xi32>,
      %shift_right_arithmetic3A = arith.constant 14 : i32
      %shift_right_arithmetic3A_714 = vector.broadcast %shift_right_arithmetic3A : i32 to vector<16xi32>
      %shift_right_arithmetic3A_715 = arith.shrsi %get3A_713, %shift_right_arithmetic3A_714 : vector<16xi32>
      %shift_left3A = arith.constant 16 : i32
      %shift_left3A_716 = vector.broadcast %shift_left3A : i32 to vector<16xi32>
      %shift_left3A_717 = arith.shli %shift_right_arithmetic3A_715, %shift_left3A_716 : vector<16xi32>
      %and3A_718 = arith.constant 8191 : i32
      %and3A_719 = vector.broadcast %and3A_718 : i32 to vector<16xi32>
      %and3A_720 = arith.andi %get3A_713, %and3A_719 : vector<16xi32>
      %shift_left3A_721 = arith.constant 3 : i32
      %shift_left3A_722 = vector.broadcast %shift_left3A_721 : i32 to vector<16xi32>
      %shift_left3A_723 = arith.shli %and3A_720, %shift_left3A_722 : vector<16xi32>
      %or3A = arith.ori %shift_left3A_717, %shift_left3A_723 : vector<16xi32>
      %shift_right_arithmetic3A_724 = arith.constant 13 : i32
      %shift_right_arithmetic3A_725 = vector.broadcast %shift_right_arithmetic3A_724 : i32 to vector<16xi32>
      %shift_right_arithmetic3A_726 = arith.shrsi %get3A_713, %shift_right_arithmetic3A_725 : vector<16xi32>
      %and3A_727 = arith.constant 1 : i32
      %and3A_728 = vector.broadcast %and3A_727 : i32 to vector<16xi32>
      %and3A_729 = arith.andi %shift_right_arithmetic3A_726, %and3A_728 : vector<16xi32>
      %or3A_730 = arith.ori %or3A, %and3A_729 : vector<16xi32>
      %jit3A_731 = arith.constant 8 : i32
      %div3A_732 = arith.divsi %select_n3A, %jit3A_731 : i32
      %sign3A_733 = arith.constant 0 : i32
      %sign3A_734 = arith.cmpi sgt, %select_n3A, %sign3A_733 : i32
      %sign3A_735 = arith.extui %sign3A_734 : i1 to i32
      %sign3A_736 = arith.constant 0 : i32
      %sign3A_737 = arith.cmpi slt, %select_n3A, %sign3A_736 : i32
      %sign3A_738 = arith.extui %sign3A_737 : i1 to i32
      %sign3A_739 = arith.subi %sign3A_735, %sign3A_738 : i32
      %sign3A_740 = arith.constant 0 : i32
      %sign3A_741 = arith.cmpi sgt, %jit3A_731, %sign3A_740 : i32
      %sign3A_742 = arith.extui %sign3A_741 : i1 to i32
      %sign3A_743 = arith.constant 0 : i32
      %sign3A_744 = arith.cmpi slt, %jit3A_731, %sign3A_743 : i32
      %sign3A_745 = arith.extui %sign3A_744 : i1 to i32
      %sign3A_746 = arith.subi %sign3A_742, %sign3A_745 : i32
      %ne3A_747 = arith.cmpi ne, %sign3A_739, %sign3A_746 : i32
      %rem3A_748 = arith.remsi %select_n3A, %jit3A_731 : i32
      %ne3A_749 = arith.constant 0 : i32
      %ne3A_750 = arith.cmpi ne, %rem3A_748, %ne3A_749 : i32
      %and3A_751 = arith.andi %ne3A_747, %ne3A_750 : i1
      %sub3A_752 = arith.constant 1 : i32
      %sub3A_753 = arith.subi %div3A_732, %sub3A_752 : i32
      %select_n3A_754 = arith.select %and3A_751, %sub3A_753, %div3A_732 : i32
      %mul3A_755 = arith.constant 4096 : i32
      %mul3A_756 = arith.muli %select_n3A_754, %mul3A_755 : i32
      %mul3A_757 = arith.constant 16 : i32
      %mul3A_758 = arith.muli %select_n3A_708, %mul3A_757 : i32
      %add3A_759 = vector.broadcast %mul3A_758 : i32 to vector<16xi32>
      %add3A_760 = arith.addi %add3A_759, %iota3A : vector<16xi32>
      %mul3A_761 = arith.constant 8 : i32
      %mul3A_762 = vector.broadcast %mul3A_761 : i32 to vector<16xi32>
      %mul3A_763 = arith.muli %add3A_760, %mul3A_762 : vector<16xi32>
      %add3A_764 = vector.broadcast %mul3A_756 : i32 to vector<16xi32>
      %add3A_765 = arith.addi %add3A_764, %mul3A_763 : vector<16xi32>
      %jit3A_766 = arith.constant 8 : i32
      %eq3A_767 = arith.constant 0 : i32
      %eq3A_768 = arith.cmpi eq, %jit3A_766, %eq3A_767 : i32
      %jit3A_769 = arith.constant 1 : i32
      %select_n3A_770 = arith.select %eq3A_768, %jit3A_769, %jit3A_766 : i32
      %rem3A_771 = arith.remsi %select_n3A, %select_n3A_770 : i32
      %ne3A_772 = arith.constant 0 : i32
      %ne3A_773 = arith.cmpi ne, %rem3A_771, %ne3A_772 : i32
      %lt3A_774 = arith.constant 0 : i32
      %lt3A_775 = arith.cmpi slt, %rem3A_771, %lt3A_774 : i32
      %lt3A_776 = arith.constant 0 : i32
      %lt3A_777 = arith.cmpi slt, %select_n3A_770, %lt3A_776 : i32
      %ne3A_778 = arith.xori %lt3A_775, %lt3A_777 : i1
      %and3A_779 = arith.andi %ne3A_778, %ne3A_773 : i1
      %add3A_780 = arith.addi %rem3A_771, %select_n3A_770 : i32
      %select_n3A_781 = arith.select %and3A_779, %add3A_780, %rem3A_771 : i32
      %add3A_782 = vector.broadcast %select_n3A_781 : i32 to vector<16xi32>
      %add3A_783 = arith.addi %add3A_765, %add3A_782 : vector<16xi32>
      %shift_right_arithmetic3A_784 = arith.constant 7 : i32
      %shift_right_arithmetic3A_785 = vector.broadcast %shift_right_arithmetic3A_784 : i32 to vector<16xi32>
      %shift_right_arithmetic3A_786 = arith.shrsi %add3A_783, %shift_right_arithmetic3A_785 : vector<16xi32>
      %and3A_787 = arith.constant 127 : i32
      %and3A_788 = vector.broadcast %and3A_787 : i32 to vector<16xi32>
      %and3A_789 = arith.andi %add3A_783, %and3A_788 : vector<16xi32>
      tpu.vector_store_idx %arg6[%shift_right_arithmetic3A_786, %and3A_789], %or3A_730 : memref<128x128xi32, #tpu.memory_space<vmem>>[vector<16xi32>, vector<16xi32>], vector<16xi32>,
    }
    %scan3A_7 = arith.constant 1024 : i32
    %scan3A_8 = arith.constant 0 : i32
    %scan3A_9 = arith.constant 0 : i32
    %scan3A_10 = arith.constant 8 : i32
    %scan3A_11 = arith.addi %scan3A_9, %scan3A_10 : i32
    %scan3A_12 = arith.constant 1 : i32
    scf.for %scan3A_678 = %scan3A_9 to %scan3A_11 step %scan3A_12  : i32 {
      %add3A_679 = arith.constant 0 : i32
      %add3A_680 = arith.addi %add3A_679, %scan3A_678 : i32
      %dma_start3A_681 = arith.constant 0 : i32
      %dma_start3A_682 = arith.constant 0 : i32
      %dma_start3A_683 = tpu.memref_slice %arg7[%scan3A_678, %dma_start3A_681, %dma_start3A_682] : memref<8x128x16xf32, #tpu.memory_space<vmem>> -> memref<1x128x16xf32, #tpu.memory_space<vmem>>
      %dma_start3A_684 = tpu.memref_squeeze %dma_start3A_683 : memref<1x128x16xf32, #tpu.memory_space<vmem>> -> memref<128x16xf32, #tpu.memory_space<vmem>>
      %dma_start3A_685 = arith.constant 0 : i32
      %dma_start3A_686 = tpu.memref_slice %arg6[%add3A_680, %dma_start3A_685] : memref<128x128xi32, #tpu.memory_space<vmem>> -> memref<1x128xi32, #tpu.memory_space<vmem>>
      %dma_start3A_687 = tpu.memref_squeeze %dma_start3A_686 : memref<1x128xi32, #tpu.memory_space<vmem>> -> memref<128xi32, #tpu.memory_space<vmem>>
      %dma_start3A_688 = arith.constant 0 : i32
      %dma_start3A_689 = arith.constant 0 : i32
      %dma_start3A_690 = tpu.memref_slice %arg2[%dma_start3A_688, %dma_start3A_689] : memref<4063232x16xf32, #tpu.memory_space<hbm>> -> memref<4063232x16xf32, #tpu.memory_space<hbm>>
      tpu.enqueue_indirect_dma source(%dma_start3A_690 : memref<4063232x16xf32, #tpu.memory_space<hbm>>) target(%dma_start3A_684 : memref<128x16xf32, #tpu.memory_space<vmem>>) offsets(%dma_start3A_687 : memref<128xi32, #tpu.memory_space<vmem>>) semaphore(%arg9 : memref<!tpu.dma_semaphore, #tpu.memory_space<semaphore_mem>>)
    }
    %scan3A_13 = arith.constant 8 : i32
    %mul3A_14 = arith.constant 32 : i32
    %mul3A_15 = arith.muli %add3A, %mul3A_14 : i32
    %add3A_16 = arith.constant 0 : i32
    %add3A_17 = arith.addi %add3A_16, %mul3A_15 : i32
    %add3A_18 = arith.constant 0 : i32
    %add3A_19 = arith.addi %add3A_17, %add3A_18 : i32
    %dma_wait3A = arith.constant 0 : i32
    %dma_wait3A_20 = arith.constant 0 : i32
    %dma_wait3A_21 = tpu.memref_slice %arg4[%add3A_19, %dma_wait3A, %dma_wait3A_20] : memref<4096x128x16xf32, #tpu.memory_space<hbm>> -> memref<8x128x16xf32, #tpu.memory_space<hbm>>
    %dma_wait3A_22 = arith.constant 0 : i32
    %dma_wait3A_23 = arith.constant 0 : i32
    %dma_wait3A_24 = tpu.memref_slice %arg4[%add3A_19, %dma_wait3A_22, %dma_wait3A_23] : memref<4096x128x16xf32, #tpu.memory_space<hbm>> -> memref<8x128x16xf32, #tpu.memory_space<hbm>>
    tpu.wait_dma2 semaphore(%arg9 : memref<!tpu.dma_semaphore, #tpu.memory_space<semaphore_mem>>) src(%dma_wait3A_24 : memref<8x128x16xf32, #tpu.memory_space<hbm>>) dst(%arg7 : memref<8x128x16xf32, #tpu.memory_space<vmem>>)
    %mul3A_25 = arith.constant 32 : i32
    %mul3A_26 = arith.muli %add3A, %mul3A_25 : i32
    %add3A_27 = arith.constant 0 : i32
    %add3A_28 = arith.addi %add3A_27, %mul3A_26 : i32
    %add3A_29 = arith.constant 0 : i32
    %add3A_30 = arith.addi %add3A_28, %add3A_29 : i32
    %dma_start3A = arith.constant 0 : i32
    %dma_start3A_31 = arith.constant 0 : i32
    %dma_start3A_32 = tpu.memref_slice %arg4[%add3A_30, %dma_start3A, %dma_start3A_31] : memref<4096x128x16xf32, #tpu.memory_space<hbm>> -> memref<8x128x16xf32, #tpu.memory_space<hbm>>
    %dma_start3A_33 = arith.constant 0 : i32
    %dma_start3A_34 = arith.constant 0 : i32
    %dma_start3A_35 = tpu.memref_slice %arg4[%add3A_30, %dma_start3A_33, %dma_start3A_34] : memref<4096x128x16xf32, #tpu.memory_space<hbm>> -> memref<8x128x16xf32, #tpu.memory_space<hbm>>
    tpu.enqueue_dma source(%arg7 : memref<8x128x16xf32, #tpu.memory_space<vmem>>) target(%dma_start3A_35 : memref<8x128x16xf32, #tpu.memory_space<hbm>>) target_semaphore(%arg10 : memref<!tpu.dma_semaphore, #tpu.memory_space<semaphore_mem>>)
    %scan3A_36 = arith.constant 0 : i32
    %scan3A_37 = arith.constant 0 : i32
    %scan3A_38 = arith.constant 8 : i32
    %scan3A_39 = arith.addi %scan3A_37, %scan3A_38 : i32
    %scan3A_40 = arith.constant 1 : i32
    scf.for %scan3A_678 = %scan3A_37 to %scan3A_39 step %scan3A_40  : i32 {
      %add3A_679 = arith.constant 8 : i32
      %add3A_680 = arith.addi %add3A_679, %scan3A_678 : i32
      %dma_start3A_681 = arith.constant 0 : i32
      %dma_start3A_682 = arith.constant 0 : i32
      %dma_start3A_683 = tpu.memref_slice %arg8[%scan3A_678, %dma_start3A_681, %dma_start3A_682] : memref<8x128x16xf32, #tpu.memory_space<vmem>> -> memref<1x128x16xf32, #tpu.memory_space<vmem>>
      %dma_start3A_684 = tpu.memref_squeeze %dma_start3A_683 : memref<1x128x16xf32, #tpu.memory_space<vmem>> -> memref<128x16xf32, #tpu.memory_space<vmem>>
      %dma_start3A_685 = arith.constant 0 : i32
      %dma_start3A_686 = tpu.memref_slice %arg6[%add3A_680, %dma_start3A_685] : memref<128x128xi32, #tpu.memory_space<vmem>> -> memref<1x128xi32, #tpu.memory_space<vmem>>
      %dma_start3A_687 = tpu.memref_squeeze %dma_start3A_686 : memref<1x128xi32, #tpu.memory_space<vmem>> -> memref<128xi32, #tpu.memory_space<vmem>>
      %dma_start3A_688 = arith.constant 0 : i32
      %dma_start3A_689 = arith.constant 0 : i32
      %dma_start3A_690 = tpu.memref_slice %arg2[%dma_start3A_688, %dma_start3A_689] : memref<4063232x16xf32, #tpu.memory_space<hbm>> -> memref<4063232x16xf32, #tpu.memory_space<hbm>>
      tpu.enqueue_indirect_dma source(%dma_start3A_690 : memref<4063232x16xf32, #tpu.memory_space<hbm>>) target(%dma_start3A_684 : memref<128x16xf32, #tpu.memory_space<vmem>>) offsets(%dma_start3A_687 : memref<128xi32, #tpu.memory_space<vmem>>) semaphore(%arg9 : memref<!tpu.dma_semaphore, #tpu.memory_space<semaphore_mem>>)
    }
    %scan3A_41 = arith.constant 8 : i32
    %mul3A_42 = arith.constant 32 : i32
    %mul3A_43 = arith.muli %add3A, %mul3A_42 : i32
    %add3A_44 = arith.constant 0 : i32
    %add3A_45 = arith.addi %add3A_44, %mul3A_43 : i32
    %add3A_46 = arith.constant 8 : i32
    %add3A_47 = arith.addi %add3A_45, %add3A_46 : i32
    %dma_wait3A_48 = arith.constant 0 : i32
    %dma_wait3A_49 = arith.constant 0 : i32
    %dma_wait3A_50 = tpu.memref_slice %arg4[%add3A_47, %dma_wait3A_48, %dma_wait3A_49] : memref<4096x128x16xf32, #tpu.memory_space<hbm>> -> memref<8x128x16xf32, #tpu.memory_space<hbm>>
    %dma_wait3A_51 = arith.constant 0 : i32
    %dma_wait3A_52 = arith.constant 0 : i32
    %dma_wait3A_53 = tpu.memref_slice %arg4[%add3A_47, %dma_wait3A_51, %dma_wait3A_52] : memref<4096x128x16xf32, #tpu.memory_space<hbm>> -> memref<8x128x16xf32, #tpu.memory_space<hbm>>
    tpu.wait_dma2 semaphore(%arg9 : memref<!tpu.dma_semaphore, #tpu.memory_space<semaphore_mem>>) src(%dma_wait3A_53 : memref<8x128x16xf32, #tpu.memory_space<hbm>>) dst(%arg8 : memref<8x128x16xf32, #tpu.memory_space<vmem>>)
    %mul3A_54 = arith.constant 32 : i32
    %mul3A_55 = arith.muli %add3A, %mul3A_54 : i32
    %add3A_56 = arith.constant 0 : i32
    %add3A_57 = arith.addi %add3A_56, %mul3A_55 : i32
    %add3A_58 = arith.constant 8 : i32
    %add3A_59 = arith.addi %add3A_57, %add3A_58 : i32
    %dma_start3A_60 = arith.constant 0 : i32
    %dma_start3A_61 = arith.constant 0 : i32
    %dma_start3A_62 = tpu.memref_slice %arg4[%add3A_59, %dma_start3A_60, %dma_start3A_61] : memref<4096x128x16xf32, #tpu.memory_space<hbm>> -> memref<8x128x16xf32, #tpu.memory_space<hbm>>
    %dma_start3A_63 = arith.constant 0 : i32
    %dma_start3A_64 = arith.constant 0 : i32
    %dma_start3A_65 = tpu.memref_slice %arg4[%add3A_59, %dma_start3A_63, %dma_start3A_64] : memref<4096x128x16xf32, #tpu.memory_space<hbm>> -> memref<8x128x16xf32, #tpu.memory_space<hbm>>
    tpu.enqueue_dma source(%arg8 : memref<8x128x16xf32, #tpu.memory_space<vmem>>) target(%dma_start3A_65 : memref<8x128x16xf32, #tpu.memory_space<hbm>>) target_semaphore(%arg10 : memref<!tpu.dma_semaphore, #tpu.memory_space<semaphore_mem>>)
    %mul3A_66 = arith.constant 32 : i32
    %mul3A_67 = arith.muli %add3A, %mul3A_66 : i32
    %add3A_68 = arith.constant 0 : i32
    %add3A_69 = arith.addi %add3A_68, %mul3A_67 : i32
    %add3A_70 = arith.constant 0 : i32
    %add3A_71 = arith.addi %add3A_69, %add3A_70 : i32
    %dma_wait3A_72 = arith.constant 0 : i32
    %dma_wait3A_73 = arith.constant 0 : i32
    %dma_wait3A_74 = tpu.memref_slice %arg4[%add3A_71, %dma_wait3A_72, %dma_wait3A_73] : memref<4096x128x16xf32, #tpu.memory_space<hbm>> -> memref<8x128x16xf32, #tpu.memory_space<hbm>>
    %dma_wait3A_75 = arith.constant 0 : i32
    %dma_wait3A_76 = arith.constant 0 : i32
    %dma_wait3A_77 = tpu.memref_slice %arg4[%add3A_71, %dma_wait3A_75, %dma_wait3A_76] : memref<4096x128x16xf32, #tpu.memory_space<hbm>> -> memref<8x128x16xf32, #tpu.memory_space<hbm>>
    tpu.wait_dma2 semaphore(%arg10 : memref<!tpu.dma_semaphore, #tpu.memory_space<semaphore_mem>>) src(%arg7 : memref<8x128x16xf32, #tpu.memory_space<vmem>>) dst(%dma_wait3A_77 : memref<8x128x16xf32, #tpu.memory_space<hbm>>)
    %scan3A_78 = arith.constant 0 : i32
    %scan3A_79 = arith.constant 0 : i32
    %scan3A_80 = arith.constant 8 : i32
    %scan3A_81 = arith.addi %scan3A_79, %scan3A_80 : i32
    %scan3A_82 = arith.constant 1 : i32
    scf.for %scan3A_678 = %scan3A_79 to %scan3A_81 step %scan3A_82  : i32 {
      %add3A_679 = arith.constant 16 : i32
      %add3A_680 = arith.addi %add3A_679, %scan3A_678 : i32
      %dma_start3A_681 = arith.constant 0 : i32
      %dma_start3A_682 = arith.constant 0 : i32
      %dma_start3A_683 = tpu.memref_slice %arg7[%scan3A_678, %dma_start3A_681, %dma_start3A_682] : memref<8x128x16xf32, #tpu.memory_space<vmem>> -> memref<1x128x16xf32, #tpu.memory_space<vmem>>
      %dma_start3A_684 = tpu.memref_squeeze %dma_start3A_683 : memref<1x128x16xf32, #tpu.memory_space<vmem>> -> memref<128x16xf32, #tpu.memory_space<vmem>>
      %dma_start3A_685 = arith.constant 0 : i32
      %dma_start3A_686 = tpu.memref_slice %arg6[%add3A_680, %dma_start3A_685] : memref<128x128xi32, #tpu.memory_space<vmem>> -> memref<1x128xi32, #tpu.memory_space<vmem>>
      %dma_start3A_687 = tpu.memref_squeeze %dma_start3A_686 : memref<1x128xi32, #tpu.memory_space<vmem>> -> memref<128xi32, #tpu.memory_space<vmem>>
      %dma_start3A_688 = arith.constant 0 : i32
      %dma_start3A_689 = arith.constant 0 : i32
      %dma_start3A_690 = tpu.memref_slice %arg2[%dma_start3A_688, %dma_start3A_689] : memref<4063232x16xf32, #tpu.memory_space<hbm>> -> memref<4063232x16xf32, #tpu.memory_space<hbm>>
      tpu.enqueue_indirect_dma source(%dma_start3A_690 : memref<4063232x16xf32, #tpu.memory_space<hbm>>) target(%dma_start3A_684 : memref<128x16xf32, #tpu.memory_space<vmem>>) offsets(%dma_start3A_687 : memref<128xi32, #tpu.memory_space<vmem>>) semaphore(%arg9 : memref<!tpu.dma_semaphore, #tpu.memory_space<semaphore_mem>>)
    }
    %scan3A_83 = arith.constant 8 : i32
    %mul3A_84 = arith.constant 32 : i32
    %mul3A_85 = arith.muli %add3A, %mul3A_84 : i32
    %add3A_86 = arith.constant 0 : i32
    %add3A_87 = arith.addi %add3A_86, %mul3A_85 : i32
    %add3A_88 = arith.constant 16 : i32
    %add3A_89 = arith.addi %add3A_87, %add3A_88 : i32
    %dma_wait3A_90 = arith.constant 0 : i32
    %dma_wait3A_91 = arith.constant 0 : i32
    %dma_wait3A_92 = tpu.memref_slice %arg4[%add3A_89, %dma_wait3A_90, %dma_wait3A_91] : memref<4096x128x16xf32, #tpu.memory_space<hbm>> -> memref<8x128x16xf32, #tpu.memory_space<hbm>>
    %dma_wait3A_93 = arith.constant 0 : i32
    %dma_wait3A_94 = arith.constant 0 : i32
    %dma_wait3A_95 = tpu.memref_slice %arg4[%add3A_89, %dma_wait3A_93, %dma_wait3A_94] : memref<4096x128x16xf32, #tpu.memory_space<hbm>> -> memref<8x128x16xf32, #tpu.memory_space<hbm>>
    tpu.wait_dma2 semaphore(%arg9 : memref<!tpu.dma_semaphore, #tpu.memory_space<semaphore_mem>>) src(%dma_wait3A_95 : memref<8x128x16xf32, #tpu.memory_space<hbm>>) dst(%arg7 : memref<8x128x16xf32, #tpu.memory_space<vmem>>)
    %mul3A_96 = arith.constant 32 : i32
    %mul3A_97 = arith.muli %add3A, %mul3A_96 : i32
    %add3A_98 = arith.constant 0 : i32
    %add3A_99 = arith.addi %add3A_98, %mul3A_97 : i32
    %add3A_100 = arith.constant 16 : i32
    %add3A_101 = arith.addi %add3A_99, %add3A_100 : i32
    %dma_start3A_102 = arith.constant 0 : i32
    %dma_start3A_103 = arith.constant 0 : i32
    %dma_start3A_104 = tpu.memref_slice %arg4[%add3A_101, %dma_start3A_102, %dma_start3A_103] : memref<4096x128x16xf32, #tpu.memory_space<hbm>> -> memref<8x128x16xf32, #tpu.memory_space<hbm>>
    %dma_start3A_105 = arith.constant 0 : i32
    %dma_start3A_106 = arith.constant 0 : i32
    %dma_start3A_107 = tpu.memref_slice %arg4[%add3A_101, %dma_start3A_105, %dma_start3A_106] : memref<4096x128x16xf32, #tpu.memory_space<hbm>> -> memref<8x128x16xf32, #tpu.memory_space<hbm>>
    tpu.enqueue_dma source(%arg7 : memref<8x128x16xf32, #tpu.memory_space<vmem>>) target(%dma_start3A_107 : memref<8x128x16xf32, #tpu.memory_space<hbm>>) target_semaphore(%arg10 : memref<!tpu.dma_semaphore, #tpu.memory_space<semaphore_mem>>)
    %mul3A_108 = arith.constant 32 : i32
    %mul3A_109 = arith.muli %add3A, %mul3A_108 : i32
    %add3A_110 = arith.constant 0 : i32
    %add3A_111 = arith.addi %add3A_110, %mul3A_109 : i32
    %add3A_112 = arith.constant 8 : i32
    %add3A_113 = arith.addi %add3A_111, %add3A_112 : i32
    %dma_wait3A_114 = arith.constant 0 : i32
    %dma_wait3A_115 = arith.constant 0 : i32
    %dma_wait3A_116 = tpu.memref_slice %arg4[%add3A_113, %dma_wait3A_114, %dma_wait3A_115] : memref<4096x128x16xf32, #tpu.memory_space<hbm>> -> memref<8x128x16xf32, #tpu.memory_space<hbm>>
    %dma_wait3A_117 = arith.constant 0 : i32
    %dma_wait3A_118 = arith.constant 0 : i32
    %dma_wait3A_119 = tpu.memref_slice %arg4[%add3A_113, %dma_wait3A_117, %dma_wait3A_118] : memref<4096x128x16xf32, #tpu.memory_space<hbm>> -> memref<8x128x16xf32, #tpu.memory_space<hbm>>
    tpu.wait_dma2 semaphore(%arg10 : memref<!tpu.dma_semaphore, #tpu.memory_space<semaphore_mem>>) src(%arg8 : memref<8x128x16xf32, #tpu.memory_space<vmem>>) dst(%dma_wait3A_119 : memref<8x128x16xf32, #tpu.memory_space<hbm>>)
    %scan3A_120 = arith.constant 0 : i32
    %scan3A_121 = arith.constant 0 : i32
    %scan3A_122 = arith.constant 8 : i32
    %scan3A_123 = arith.addi %scan3A_121, %scan3A_122 : i32
    %scan3A_124 = arith.constant 1 : i32
    scf.for %scan3A_678 = %scan3A_121 to %scan3A_123 step %scan3A_124  : i32 {
      %add3A_679 = arith.constant 24 : i32
      %add3A_680 = arith.addi %add3A_679, %scan3A_678 : i32
      %dma_start3A_681 = arith.constant 0 : i32
      %dma_start3A_682 = arith.constant 0 : i32
      %dma_start3A_683 = tpu.memref_slice %arg8[%scan3A_678, %dma_start3A_681, %dma_start3A_682] : memref<8x128x16xf32, #tpu.memory_space<vmem>> -> memref<1x128x16xf32, #tpu.memory_space<vmem>>
      %dma_start3A_684 = tpu.memref_squeeze %dma_start3A_683 : memref<1x128x16xf32, #tpu.memory_space<vmem>> -> memref<128x16xf32, #tpu.memory_space<vmem>>
      %dma_start3A_685 = arith.constant 0 : i32
      %dma_start3A_686 = tpu.memref_slice %arg6[%add3A_680, %dma_start3A_685] : memref<128x128xi32, #tpu.memory_space<vmem>> -> memref<1x128xi32, #tpu.memory_space<vmem>>
      %dma_start3A_687 = tpu.memref_squeeze %dma_start3A_686 : memref<1x128xi32, #tpu.memory_space<vmem>> -> memref<128xi32, #tpu.memory_space<vmem>>
      %dma_start3A_688 = arith.constant 0 : i32
      %dma_start3A_689 = arith.constant 0 : i32
      %dma_start3A_690 = tpu.memref_slice %arg2[%dma_start3A_688, %dma_start3A_689] : memref<4063232x16xf32, #tpu.memory_space<hbm>> -> memref<4063232x16xf32, #tpu.memory_space<hbm>>
      tpu.enqueue_indirect_dma source(%dma_start3A_690 : memref<4063232x16xf32, #tpu.memory_space<hbm>>) target(%dma_start3A_684 : memref<128x16xf32, #tpu.memory_space<vmem>>) offsets(%dma_start3A_687 : memref<128xi32, #tpu.memory_space<vmem>>) semaphore(%arg9 : memref<!tpu.dma_semaphore, #tpu.memory_space<semaphore_mem>>)
    }
    %scan3A_125 = arith.constant 8 : i32
    %mul3A_126 = arith.constant 32 : i32
    %mul3A_127 = arith.muli %add3A, %mul3A_126 : i32
    %add3A_128 = arith.constant 0 : i32
    %add3A_129 = arith.addi %add3A_128, %mul3A_127 : i32
    %add3A_130 = arith.constant 24 : i32
    %add3A_131 = arith.addi %add3A_129, %add3A_130 : i32
    %dma_wait3A_132 = arith.constant 0 : i32
    %dma_wait3A_133 = arith.constant 0 : i32
    %dma_wait3A_134 = tpu.memref_slice %arg4[%add3A_131, %dma_wait3A_132, %dma_wait3A_133] : memref<4096x128x16xf32, #tpu.memory_space<hbm>> -> memref<8x128x16xf32, #tpu.memory_space<hbm>>
    %dma_wait3A_135 = arith.constant 0 : i32
    %dma_wait3A_136 = arith.constant 0 : i32
    %dma_wait3A_137 = tpu.memref_slice %arg4[%add3A_131, %dma_wait3A_135, %dma_wait3A_136] : memref<4096x128x16xf32, #tpu.memory_space<hbm>> -> memref<8x128x16xf32, #tpu.memory_space<hbm>>
    tpu.wait_dma2 semaphore(%arg9 : memref<!tpu.dma_semaphore, #tpu.memory_space<semaphore_mem>>) src(%dma_wait3A_137 : memref<8x128x16xf32, #tpu.memory_space<hbm>>) dst(%arg8 : memref<8x128x16xf32, #tpu.memory_space<vmem>>)
    %mul3A_138 = arith.constant 32 : i32
    %mul3A_139 = arith.muli %add3A, %mul3A_138 : i32
    %add3A_140 = arith.constant 0 : i32
    %add3A_141 = arith.addi %add3A_140, %mul3A_139 : i32
    %add3A_142 = arith.constant 24 : i32
    %add3A_143 = arith.addi %add3A_141, %add3A_142 : i32
    %dma_start3A_144 = arith.constant 0 : i32
    %dma_start3A_145 = arith.constant 0 : i32
    %dma_start3A_146 = tpu.memref_slice %arg4[%add3A_143, %dma_start3A_144, %dma_start3A_145] : memref<4096x128x16xf32, #tpu.memory_space<hbm>> -> memref<8x128x16xf32, #tpu.memory_space<hbm>>
    %dma_start3A_147 = arith.constant 0 : i32
    %dma_start3A_148 = arith.constant 0 : i32
    %dma_start3A_149 = tpu.memref_slice %arg4[%add3A_143, %dma_start3A_147, %dma_start3A_148] : memref<4096x128x16xf32, #tpu.memory_space<hbm>> -> memref<8x128x16xf32, #tpu.memory_space<hbm>>
    tpu.enqueue_dma source(%arg8 : memref<8x128x16xf32, #tpu.memory_space<vmem>>) target(%dma_start3A_149 : memref<8x128x16xf32, #tpu.memory_space<hbm>>) target_semaphore(%arg10 : memref<!tpu.dma_semaphore, #tpu.memory_space<semaphore_mem>>)
    %mul3A_150 = arith.constant 32 : i32
    %mul3A_151 = arith.muli %add3A, %mul3A_150 : i32
    %add3A_152 = arith.constant 0 : i32
    %add3A_153 = arith.addi %add3A_152, %mul3A_151 : i32
    %add3A_154 = arith.constant 16 : i32
    %add3A_155 = arith.addi %add3A_153, %add3A_154 : i32
    %dma_wait3A_156 = arith.constant 0 : i32
    %dma_wait3A_157 = arith.constant 0 : i32
    %dma_wait3A_158 = tpu.memref_slice %arg4[%add3A_155, %dma_wait3A_156, %dma_wait3A_157] : memref<4096x128x16xf32, #tpu.memory_space<hbm>> -> memref<8x128x16xf32, #tpu.memory_space<hbm>>
    %dma_wait3A_159 = arith.constant 0 : i32
    %dma_wait3A_160 = arith.constant 0 : i32
    %dma_wait3A_161 = tpu.memref_slice %arg4[%add3A_155, %dma_wait3A_159, %dma_wait3A_160] : memref<4096x128x16xf32, #tpu.memory_space<hbm>> -> memref<8x128x16xf32, #tpu.memory_space<hbm>>
    tpu.wait_dma2 semaphore(%arg10 : memref<!tpu.dma_semaphore, #tpu.memory_space<semaphore_mem>>) src(%arg7 : memref<8x128x16xf32, #tpu.memory_space<vmem>>) dst(%dma_wait3A_161 : memref<8x128x16xf32, #tpu.memory_space<hbm>>)
    %scan3A_162 = arith.constant 0 : i32
    %scan3A_163 = arith.constant 0 : i32
    %scan3A_164 = arith.constant 8 : i32
    %scan3A_165 = arith.addi %scan3A_163, %scan3A_164 : i32
    %scan3A_166 = arith.constant 1 : i32
    scf.for %scan3A_678 = %scan3A_163 to %scan3A_165 step %scan3A_166  : i32 {
      %add3A_679 = arith.constant 32 : i32
      %add3A_680 = arith.addi %add3A_679, %scan3A_678 : i32
      %dma_start3A_681 = arith.constant 0 : i32
      %dma_start3A_682 = arith.constant 0 : i32
      %dma_start3A_683 = tpu.memref_slice %arg7[%scan3A_678, %dma_start3A_681, %dma_start3A_682] : memref<8x128x16xf32, #tpu.memory_space<vmem>> -> memref<1x128x16xf32, #tpu.memory_space<vmem>>
      %dma_start3A_684 = tpu.memref_squeeze %dma_start3A_683 : memref<1x128x16xf32, #tpu.memory_space<vmem>> -> memref<128x16xf32, #tpu.memory_space<vmem>>
      %dma_start3A_685 = arith.constant 0 : i32
      %dma_start3A_686 = tpu.memref_slice %arg6[%add3A_680, %dma_start3A_685] : memref<128x128xi32, #tpu.memory_space<vmem>> -> memref<1x128xi32, #tpu.memory_space<vmem>>
      %dma_start3A_687 = tpu.memref_squeeze %dma_start3A_686 : memref<1x128xi32, #tpu.memory_space<vmem>> -> memref<128xi32, #tpu.memory_space<vmem>>
      %dma_start3A_688 = arith.constant 0 : i32
      %dma_start3A_689 = arith.constant 0 : i32
      %dma_start3A_690 = tpu.memref_slice %arg2[%dma_start3A_688, %dma_start3A_689] : memref<4063232x16xf32, #tpu.memory_space<hbm>> -> memref<4063232x16xf32, #tpu.memory_space<hbm>>
      tpu.enqueue_indirect_dma source(%dma_start3A_690 : memref<4063232x16xf32, #tpu.memory_space<hbm>>) target(%dma_start3A_684 : memref<128x16xf32, #tpu.memory_space<vmem>>) offsets(%dma_start3A_687 : memref<128xi32, #tpu.memory_space<vmem>>) semaphore(%arg9 : memref<!tpu.dma_semaphore, #tpu.memory_space<semaphore_mem>>)
    }
    %scan3A_167 = arith.constant 8 : i32
    %mul3A_168 = arith.constant 32 : i32
    %mul3A_169 = arith.muli %add3A, %mul3A_168 : i32
    %add3A_170 = arith.constant 1024 : i32
    %add3A_171 = arith.addi %add3A_170, %mul3A_169 : i32
    %add3A_172 = arith.constant 0 : i32
    %add3A_173 = arith.addi %add3A_171, %add3A_172 : i32
    %dma_wait3A_174 = arith.constant 0 : i32
    %dma_wait3A_175 = arith.constant 0 : i32
    %dma_wait3A_176 = tpu.memref_slice %arg4[%add3A_173, %dma_wait3A_174, %dma_wait3A_175] : memref<4096x128x16xf32, #tpu.memory_space<hbm>> -> memref<8x128x16xf32, #tpu.memory_space<hbm>>
    %dma_wait3A_177 = arith.constant 0 : i32
    %dma_wait3A_178 = arith.constant 0 : i32
    %dma_wait3A_179 = tpu.memref_slice %arg4[%add3A_173, %dma_wait3A_177, %dma_wait3A_178] : memref<4096x128x16xf32, #tpu.memory_space<hbm>> -> memref<8x128x16xf32, #tpu.memory_space<hbm>>
    tpu.wait_dma2 semaphore(%arg9 : memref<!tpu.dma_semaphore, #tpu.memory_space<semaphore_mem>>) src(%dma_wait3A_179 : memref<8x128x16xf32, #tpu.memory_space<hbm>>) dst(%arg7 : memref<8x128x16xf32, #tpu.memory_space<vmem>>)
    %mul3A_180 = arith.constant 32 : i32
    %mul3A_181 = arith.muli %add3A, %mul3A_180 : i32
    %add3A_182 = arith.constant 1024 : i32
    %add3A_183 = arith.addi %add3A_182, %mul3A_181 : i32
    %add3A_184 = arith.constant 0 : i32
    %add3A_185 = arith.addi %add3A_183, %add3A_184 : i32
    %dma_start3A_186 = arith.constant 0 : i32
    %dma_start3A_187 = arith.constant 0 : i32
    %dma_start3A_188 = tpu.memref_slice %arg4[%add3A_185, %dma_start3A_186, %dma_start3A_187] : memref<4096x128x16xf32, #tpu.memory_space<hbm>> -> memref<8x128x16xf32, #tpu.memory_space<hbm>>
    %dma_start3A_189 = arith.constant 0 : i32
    %dma_start3A_190 = arith.constant 0 : i32
    %dma_start3A_191 = tpu.memref_slice %arg4[%add3A_185, %dma_start3A_189, %dma_start3A_190] : memref<4096x128x16xf32, #tpu.memory_space<hbm>> -> memref<8x128x16xf32, #tpu.memory_space<hbm>>
    tpu.enqueue_dma source(%arg7 : memref<8x128x16xf32, #tpu.memory_space<vmem>>) target(%dma_start3A_191 : memref<8x128x16xf32, #tpu.memory_space<hbm>>) target_semaphore(%arg10 : memref<!tpu.dma_semaphore, #tpu.memory_space<semaphore_mem>>)
    %mul3A_192 = arith.constant 32 : i32
    %mul3A_193 = arith.muli %add3A, %mul3A_192 : i32
    %add3A_194 = arith.constant 0 : i32
    %add3A_195 = arith.addi %add3A_194, %mul3A_193 : i32
    %add3A_196 = arith.constant 24 : i32
    %add3A_197 = arith.addi %add3A_195, %add3A_196 : i32
    %dma_wait3A_198 = arith.constant 0 : i32
    %dma_wait3A_199 = arith.constant 0 : i32
    %dma_wait3A_200 = tpu.memref_slice %arg4[%add3A_197, %dma_wait3A_198, %dma_wait3A_199] : memref<4096x128x16xf32, #tpu.memory_space<hbm>> -> memref<8x128x16xf32, #tpu.memory_space<hbm>>
    %dma_wait3A_201 = arith.constant 0 : i32
    %dma_wait3A_202 = arith.constant 0 : i32
    %dma_wait3A_203 = tpu.memref_slice %arg4[%add3A_197, %dma_wait3A_201, %dma_wait3A_202] : memref<4096x128x16xf32, #tpu.memory_space<hbm>> -> memref<8x128x16xf32, #tpu.memory_space<hbm>>
    tpu.wait_dma2 semaphore(%arg10 : memref<!tpu.dma_semaphore, #tpu.memory_space<semaphore_mem>>) src(%arg8 : memref<8x128x16xf32, #tpu.memory_space<vmem>>) dst(%dma_wait3A_203 : memref<8x128x16xf32, #tpu.memory_space<hbm>>)
    %scan3A_204 = arith.constant 0 : i32
    %scan3A_205 = arith.constant 0 : i32
    %scan3A_206 = arith.constant 8 : i32
    %scan3A_207 = arith.addi %scan3A_205, %scan3A_206 : i32
    %scan3A_208 = arith.constant 1 : i32
    scf.for %scan3A_678 = %scan3A_205 to %scan3A_207 step %scan3A_208  : i32 {
      %add3A_679 = arith.constant 40 : i32
      %add3A_680 = arith.addi %add3A_679, %scan3A_678 : i32
      %dma_start3A_681 = arith.constant 0 : i32
      %dma_start3A_682 = arith.constant 0 : i32
      %dma_start3A_683 = tpu.memref_slice %arg8[%scan3A_678, %dma_start3A_681, %dma_start3A_682] : memref<8x128x16xf32, #tpu.memory_space<vmem>> -> memref<1x128x16xf32, #tpu.memory_space<vmem>>
      %dma_start3A_684 = tpu.memref_squeeze %dma_start3A_683 : memref<1x128x16xf32, #tpu.memory_space<vmem>> -> memref<128x16xf32, #tpu.memory_space<vmem>>
      %dma_start3A_685 = arith.constant 0 : i32
      %dma_start3A_686 = tpu.memref_slice %arg6[%add3A_680, %dma_start3A_685] : memref<128x128xi32, #tpu.memory_space<vmem>> -> memref<1x128xi32, #tpu.memory_space<vmem>>
      %dma_start3A_687 = tpu.memref_squeeze %dma_start3A_686 : memref<1x128xi32, #tpu.memory_space<vmem>> -> memref<128xi32, #tpu.memory_space<vmem>>
      %dma_start3A_688 = arith.constant 0 : i32
      %dma_start3A_689 = arith.constant 0 : i32
      %dma_start3A_690 = tpu.memref_slice %arg2[%dma_start3A_688, %dma_start3A_689] : memref<4063232x16xf32, #tpu.memory_space<hbm>> -> memref<4063232x16xf32, #tpu.memory_space<hbm>>
      tpu.enqueue_indirect_dma source(%dma_start3A_690 : memref<4063232x16xf32, #tpu.memory_space<hbm>>) target(%dma_start3A_684 : memref<128x16xf32, #tpu.memory_space<vmem>>) offsets(%dma_start3A_687 : memref<128xi32, #tpu.memory_space<vmem>>) semaphore(%arg9 : memref<!tpu.dma_semaphore, #tpu.memory_space<semaphore_mem>>)
    }
    %scan3A_209 = arith.constant 8 : i32
    %mul3A_210 = arith.constant 32 : i32
    %mul3A_211 = arith.muli %add3A, %mul3A_210 : i32
    %add3A_212 = arith.constant 1024 : i32
    %add3A_213 = arith.addi %add3A_212, %mul3A_211 : i32
    %add3A_214 = arith.constant 8 : i32
    %add3A_215 = arith.addi %add3A_213, %add3A_214 : i32
    %dma_wait3A_216 = arith.constant 0 : i32
    %dma_wait3A_217 = arith.constant 0 : i32
    %dma_wait3A_218 = tpu.memref_slice %arg4[%add3A_215, %dma_wait3A_216, %dma_wait3A_217] : memref<4096x128x16xf32, #tpu.memory_space<hbm>> -> memref<8x128x16xf32, #tpu.memory_space<hbm>>
    %dma_wait3A_219 = arith.constant 0 : i32
    %dma_wait3A_220 = arith.constant 0 : i32
    %dma_wait3A_221 = tpu.memref_slice %arg4[%add3A_215, %dma_wait3A_219, %dma_wait3A_220] : memref<4096x128x16xf32, #tpu.memory_space<hbm>> -> memref<8x128x16xf32, #tpu.memory_space<hbm>>
    tpu.wait_dma2 semaphore(%arg9 : memref<!tpu.dma_semaphore, #tpu.memory_space<semaphore_mem>>) src(%dma_wait3A_221 : memref<8x128x16xf32, #tpu.memory_space<hbm>>) dst(%arg8 : memref<8x128x16xf32, #tpu.memory_space<vmem>>)
    %mul3A_222 = arith.constant 32 : i32
    %mul3A_223 = arith.muli %add3A, %mul3A_222 : i32
    %add3A_224 = arith.constant 1024 : i32
    %add3A_225 = arith.addi %add3A_224, %mul3A_223 : i32
    %add3A_226 = arith.constant 8 : i32
    %add3A_227 = arith.addi %add3A_225, %add3A_226 : i32
    %dma_start3A_228 = arith.constant 0 : i32
    %dma_start3A_229 = arith.constant 0 : i32
    %dma_start3A_230 = tpu.memref_slice %arg4[%add3A_227, %dma_start3A_228, %dma_start3A_229] : memref<4096x128x16xf32, #tpu.memory_space<hbm>> -> memref<8x128x16xf32, #tpu.memory_space<hbm>>
    %dma_start3A_231 = arith.constant 0 : i32
    %dma_start3A_232 = arith.constant 0 : i32
    %dma_start3A_233 = tpu.memref_slice %arg4[%add3A_227, %dma_start3A_231, %dma_start3A_232] : memref<4096x128x16xf32, #tpu.memory_space<hbm>> -> memref<8x128x16xf32, #tpu.memory_space<hbm>>
    tpu.enqueue_dma source(%arg8 : memref<8x128x16xf32, #tpu.memory_space<vmem>>) target(%dma_start3A_233 : memref<8x128x16xf32, #tpu.memory_space<hbm>>) target_semaphore(%arg10 : memref<!tpu.dma_semaphore, #tpu.memory_space<semaphore_mem>>)
    %mul3A_234 = arith.constant 32 : i32
    %mul3A_235 = arith.muli %add3A, %mul3A_234 : i32
    %add3A_236 = arith.constant 1024 : i32
    %add3A_237 = arith.addi %add3A_236, %mul3A_235 : i32
    %add3A_238 = arith.constant 0 : i32
    %add3A_239 = arith.addi %add3A_237, %add3A_238 : i32
    %dma_wait3A_240 = arith.constant 0 : i32
    %dma_wait3A_241 = arith.constant 0 : i32
    %dma_wait3A_242 = tpu.memref_slice %arg4[%add3A_239, %dma_wait3A_240, %dma_wait3A_241] : memref<4096x128x16xf32, #tpu.memory_space<hbm>> -> memref<8x128x16xf32, #tpu.memory_space<hbm>>
    %dma_wait3A_243 = arith.constant 0 : i32
    %dma_wait3A_244 = arith.constant 0 : i32
    %dma_wait3A_245 = tpu.memref_slice %arg4[%add3A_239, %dma_wait3A_243, %dma_wait3A_244] : memref<4096x128x16xf32, #tpu.memory_space<hbm>> -> memref<8x128x16xf32, #tpu.memory_space<hbm>>
    tpu.wait_dma2 semaphore(%arg10 : memref<!tpu.dma_semaphore, #tpu.memory_space<semaphore_mem>>) src(%arg7 : memref<8x128x16xf32, #tpu.memory_space<vmem>>) dst(%dma_wait3A_245 : memref<8x128x16xf32, #tpu.memory_space<hbm>>)
    %scan3A_246 = arith.constant 0 : i32
    %scan3A_247 = arith.constant 0 : i32
    %scan3A_248 = arith.constant 8 : i32
    %scan3A_249 = arith.addi %scan3A_247, %scan3A_248 : i32
    %scan3A_250 = arith.constant 1 : i32
    scf.for %scan3A_678 = %scan3A_247 to %scan3A_249 step %scan3A_250  : i32 {
      %add3A_679 = arith.constant 48 : i32
      %add3A_680 = arith.addi %add3A_679, %scan3A_678 : i32
      %dma_start3A_681 = arith.constant 0 : i32
      %dma_start3A_682 = arith.constant 0 : i32
      %dma_start3A_683 = tpu.memref_slice %arg7[%scan3A_678, %dma_start3A_681, %dma_start3A_682] : memref<8x128x16xf32, #tpu.memory_space<vmem>> -> memref<1x128x16xf32, #tpu.memory_space<vmem>>
      %dma_start3A_684 = tpu.memref_squeeze %dma_start3A_683 : memref<1x128x16xf32, #tpu.memory_space<vmem>> -> memref<128x16xf32, #tpu.memory_space<vmem>>
      %dma_start3A_685 = arith.constant 0 : i32
      %dma_start3A_686 = tpu.memref_slice %arg6[%add3A_680, %dma_start3A_685] : memref<128x128xi32, #tpu.memory_space<vmem>> -> memref<1x128xi32, #tpu.memory_space<vmem>>
      %dma_start3A_687 = tpu.memref_squeeze %dma_start3A_686 : memref<1x128xi32, #tpu.memory_space<vmem>> -> memref<128xi32, #tpu.memory_space<vmem>>
      %dma_start3A_688 = arith.constant 0 : i32
      %dma_start3A_689 = arith.constant 0 : i32
      %dma_start3A_690 = tpu.memref_slice %arg2[%dma_start3A_688, %dma_start3A_689] : memref<4063232x16xf32, #tpu.memory_space<hbm>> -> memref<4063232x16xf32, #tpu.memory_space<hbm>>
      tpu.enqueue_indirect_dma source(%dma_start3A_690 : memref<4063232x16xf32, #tpu.memory_space<hbm>>) target(%dma_start3A_684 : memref<128x16xf32, #tpu.memory_space<vmem>>) offsets(%dma_start3A_687 : memref<128xi32, #tpu.memory_space<vmem>>) semaphore(%arg9 : memref<!tpu.dma_semaphore, #tpu.memory_space<semaphore_mem>>)
    }
    %scan3A_251 = arith.constant 8 : i32
    %mul3A_252 = arith.constant 32 : i32
    %mul3A_253 = arith.muli %add3A, %mul3A_252 : i32
    %add3A_254 = arith.constant 1024 : i32
    %add3A_255 = arith.addi %add3A_254, %mul3A_253 : i32
    %add3A_256 = arith.constant 16 : i32
    %add3A_257 = arith.addi %add3A_255, %add3A_256 : i32
    %dma_wait3A_258 = arith.constant 0 : i32
    %dma_wait3A_259 = arith.constant 0 : i32
    %dma_wait3A_260 = tpu.memref_slice %arg4[%add3A_257, %dma_wait3A_258, %dma_wait3A_259] : memref<4096x128x16xf32, #tpu.memory_space<hbm>> -> memref<8x128x16xf32, #tpu.memory_space<hbm>>
    %dma_wait3A_261 = arith.constant 0 : i32
    %dma_wait3A_262 = arith.constant 0 : i32
    %dma_wait3A_263 = tpu.memref_slice %arg4[%add3A_257, %dma_wait3A_261, %dma_wait3A_262] : memref<4096x128x16xf32, #tpu.memory_space<hbm>> -> memref<8x128x16xf32, #tpu.memory_space<hbm>>
    tpu.wait_dma2 semaphore(%arg9 : memref<!tpu.dma_semaphore, #tpu.memory_space<semaphore_mem>>) src(%dma_wait3A_263 : memref<8x128x16xf32, #tpu.memory_space<hbm>>) dst(%arg7 : memref<8x128x16xf32, #tpu.memory_space<vmem>>)
    %mul3A_264 = arith.constant 32 : i32
    %mul3A_265 = arith.muli %add3A, %mul3A_264 : i32
    %add3A_266 = arith.constant 1024 : i32
    %add3A_267 = arith.addi %add3A_266, %mul3A_265 : i32
    %add3A_268 = arith.constant 16 : i32
    %add3A_269 = arith.addi %add3A_267, %add3A_268 : i32
    %dma_start3A_270 = arith.constant 0 : i32
    %dma_start3A_271 = arith.constant 0 : i32
    %dma_start3A_272 = tpu.memref_slice %arg4[%add3A_269, %dma_start3A_270, %dma_start3A_271] : memref<4096x128x16xf32, #tpu.memory_space<hbm>> -> memref<8x128x16xf32, #tpu.memory_space<hbm>>
    %dma_start3A_273 = arith.constant 0 : i32
    %dma_start3A_274 = arith.constant 0 : i32
    %dma_start3A_275 = tpu.memref_slice %arg4[%add3A_269, %dma_start3A_273, %dma_start3A_274] : memref<4096x128x16xf32, #tpu.memory_space<hbm>> -> memref<8x128x16xf32, #tpu.memory_space<hbm>>
    tpu.enqueue_dma source(%arg7 : memref<8x128x16xf32, #tpu.memory_space<vmem>>) target(%dma_start3A_275 : memref<8x128x16xf32, #tpu.memory_space<hbm>>) target_semaphore(%arg10 : memref<!tpu.dma_semaphore, #tpu.memory_space<semaphore_mem>>)
    %mul3A_276 = arith.constant 32 : i32
    %mul3A_277 = arith.muli %add3A, %mul3A_276 : i32
    %add3A_278 = arith.constant 1024 : i32
    %add3A_279 = arith.addi %add3A_278, %mul3A_277 : i32
    %add3A_280 = arith.constant 8 : i32
    %add3A_281 = arith.addi %add3A_279, %add3A_280 : i32
    %dma_wait3A_282 = arith.constant 0 : i32
    %dma_wait3A_283 = arith.constant 0 : i32
    %dma_wait3A_284 = tpu.memref_slice %arg4[%add3A_281, %dma_wait3A_282, %dma_wait3A_283] : memref<4096x128x16xf32, #tpu.memory_space<hbm>> -> memref<8x128x16xf32, #tpu.memory_space<hbm>>
    %dma_wait3A_285 = arith.constant 0 : i32
    %dma_wait3A_286 = arith.constant 0 : i32
    %dma_wait3A_287 = tpu.memref_slice %arg4[%add3A_281, %dma_wait3A_285, %dma_wait3A_286] : memref<4096x128x16xf32, #tpu.memory_space<hbm>> -> memref<8x128x16xf32, #tpu.memory_space<hbm>>
    tpu.wait_dma2 semaphore(%arg10 : memref<!tpu.dma_semaphore, #tpu.memory_space<semaphore_mem>>) src(%arg8 : memref<8x128x16xf32, #tpu.memory_space<vmem>>) dst(%dma_wait3A_287 : memref<8x128x16xf32, #tpu.memory_space<hbm>>)
    %scan3A_288 = arith.constant 0 : i32
    %scan3A_289 = arith.constant 0 : i32
    %scan3A_290 = arith.constant 8 : i32
    %scan3A_291 = arith.addi %scan3A_289, %scan3A_290 : i32
    %scan3A_292 = arith.constant 1 : i32
    scf.for %scan3A_678 = %scan3A_289 to %scan3A_291 step %scan3A_292  : i32 {
      %add3A_679 = arith.constant 56 : i32
      %add3A_680 = arith.addi %add3A_679, %scan3A_678 : i32
      %dma_start3A_681 = arith.constant 0 : i32
      %dma_start3A_682 = arith.constant 0 : i32
      %dma_start3A_683 = tpu.memref_slice %arg8[%scan3A_678, %dma_start3A_681, %dma_start3A_682] : memref<8x128x16xf32, #tpu.memory_space<vmem>> -> memref<1x128x16xf32, #tpu.memory_space<vmem>>
      %dma_start3A_684 = tpu.memref_squeeze %dma_start3A_683 : memref<1x128x16xf32, #tpu.memory_space<vmem>> -> memref<128x16xf32, #tpu.memory_space<vmem>>
      %dma_start3A_685 = arith.constant 0 : i32
      %dma_start3A_686 = tpu.memref_slice %arg6[%add3A_680, %dma_start3A_685] : memref<128x128xi32, #tpu.memory_space<vmem>> -> memref<1x128xi32, #tpu.memory_space<vmem>>
      %dma_start3A_687 = tpu.memref_squeeze %dma_start3A_686 : memref<1x128xi32, #tpu.memory_space<vmem>> -> memref<128xi32, #tpu.memory_space<vmem>>
      %dma_start3A_688 = arith.constant 0 : i32
      %dma_start3A_689 = arith.constant 0 : i32
      %dma_start3A_690 = tpu.memref_slice %arg2[%dma_start3A_688, %dma_start3A_689] : memref<4063232x16xf32, #tpu.memory_space<hbm>> -> memref<4063232x16xf32, #tpu.memory_space<hbm>>
      tpu.enqueue_indirect_dma source(%dma_start3A_690 : memref<4063232x16xf32, #tpu.memory_space<hbm>>) target(%dma_start3A_684 : memref<128x16xf32, #tpu.memory_space<vmem>>) offsets(%dma_start3A_687 : memref<128xi32, #tpu.memory_space<vmem>>) semaphore(%arg9 : memref<!tpu.dma_semaphore, #tpu.memory_space<semaphore_mem>>)
    }
    %scan3A_293 = arith.constant 8 : i32
    %mul3A_294 = arith.constant 32 : i32
    %mul3A_295 = arith.muli %add3A, %mul3A_294 : i32
    %add3A_296 = arith.constant 1024 : i32
    %add3A_297 = arith.addi %add3A_296, %mul3A_295 : i32
    %add3A_298 = arith.constant 24 : i32
    %add3A_299 = arith.addi %add3A_297, %add3A_298 : i32
    %dma_wait3A_300 = arith.constant 0 : i32
    %dma_wait3A_301 = arith.constant 0 : i32
    %dma_wait3A_302 = tpu.memref_slice %arg4[%add3A_299, %dma_wait3A_300, %dma_wait3A_301] : memref<4096x128x16xf32, #tpu.memory_space<hbm>> -> memref<8x128x16xf32, #tpu.memory_space<hbm>>
    %dma_wait3A_303 = arith.constant 0 : i32
    %dma_wait3A_304 = arith.constant 0 : i32
    %dma_wait3A_305 = tpu.memref_slice %arg4[%add3A_299, %dma_wait3A_303, %dma_wait3A_304] : memref<4096x128x16xf32, #tpu.memory_space<hbm>> -> memref<8x128x16xf32, #tpu.memory_space<hbm>>
    tpu.wait_dma2 semaphore(%arg9 : memref<!tpu.dma_semaphore, #tpu.memory_space<semaphore_mem>>) src(%dma_wait3A_305 : memref<8x128x16xf32, #tpu.memory_space<hbm>>) dst(%arg8 : memref<8x128x16xf32, #tpu.memory_space<vmem>>)
    %mul3A_306 = arith.constant 32 : i32
    %mul3A_307 = arith.muli %add3A, %mul3A_306 : i32
    %add3A_308 = arith.constant 1024 : i32
    %add3A_309 = arith.addi %add3A_308, %mul3A_307 : i32
    %add3A_310 = arith.constant 24 : i32
    %add3A_311 = arith.addi %add3A_309, %add3A_310 : i32
    %dma_start3A_312 = arith.constant 0 : i32
    %dma_start3A_313 = arith.constant 0 : i32
    %dma_start3A_314 = tpu.memref_slice %arg4[%add3A_311, %dma_start3A_312, %dma_start3A_313] : memref<4096x128x16xf32, #tpu.memory_space<hbm>> -> memref<8x128x16xf32, #tpu.memory_space<hbm>>
    %dma_start3A_315 = arith.constant 0 : i32
    %dma_start3A_316 = arith.constant 0 : i32
    %dma_start3A_317 = tpu.memref_slice %arg4[%add3A_311, %dma_start3A_315, %dma_start3A_316] : memref<4096x128x16xf32, #tpu.memory_space<hbm>> -> memref<8x128x16xf32, #tpu.memory_space<hbm>>
    tpu.enqueue_dma source(%arg8 : memref<8x128x16xf32, #tpu.memory_space<vmem>>) target(%dma_start3A_317 : memref<8x128x16xf32, #tpu.memory_space<hbm>>) target_semaphore(%arg10 : memref<!tpu.dma_semaphore, #tpu.memory_space<semaphore_mem>>)
    %mul3A_318 = arith.constant 32 : i32
    %mul3A_319 = arith.muli %add3A, %mul3A_318 : i32
    %add3A_320 = arith.constant 1024 : i32
    %add3A_321 = arith.addi %add3A_320, %mul3A_319 : i32
    %add3A_322 = arith.constant 16 : i32
    %add3A_323 = arith.addi %add3A_321, %add3A_322 : i32
    %dma_wait3A_324 = arith.constant 0 : i32
    %dma_wait3A_325 = arith.constant 0 : i32
    %dma_wait3A_326 = tpu.memref_slice %arg4[%add3A_323, %dma_wait3A_324, %dma_wait3A_325] : memref<4096x128x16xf32, #tpu.memory_space<hbm>> -> memref<8x128x16xf32, #tpu.memory_space<hbm>>
    %dma_wait3A_327 = arith.constant 0 : i32
    %dma_wait3A_328 = arith.constant 0 : i32
    %dma_wait3A_329 = tpu.memref_slice %arg4[%add3A_323, %dma_wait3A_327, %dma_wait3A_328] : memref<4096x128x16xf32, #tpu.memory_space<hbm>> -> memref<8x128x16xf32, #tpu.memory_space<hbm>>
    tpu.wait_dma2 semaphore(%arg10 : memref<!tpu.dma_semaphore, #tpu.memory_space<semaphore_mem>>) src(%arg7 : memref<8x128x16xf32, #tpu.memory_space<vmem>>) dst(%dma_wait3A_329 : memref<8x128x16xf32, #tpu.memory_space<hbm>>)
    %scan3A_330 = arith.constant 0 : i32
    %scan3A_331 = arith.constant 0 : i32
    %scan3A_332 = arith.constant 8 : i32
    %scan3A_333 = arith.addi %scan3A_331, %scan3A_332 : i32
    %scan3A_334 = arith.constant 1 : i32
    scf.for %scan3A_678 = %scan3A_331 to %scan3A_333 step %scan3A_334  : i32 {
      %add3A_679 = arith.constant 64 : i32
      %add3A_680 = arith.addi %add3A_679, %scan3A_678 : i32
      %dma_start3A_681 = arith.constant 0 : i32
      %dma_start3A_682 = arith.constant 0 : i32
      %dma_start3A_683 = tpu.memref_slice %arg7[%scan3A_678, %dma_start3A_681, %dma_start3A_682] : memref<8x128x16xf32, #tpu.memory_space<vmem>> -> memref<1x128x16xf32, #tpu.memory_space<vmem>>
      %dma_start3A_684 = tpu.memref_squeeze %dma_start3A_683 : memref<1x128x16xf32, #tpu.memory_space<vmem>> -> memref<128x16xf32, #tpu.memory_space<vmem>>
      %dma_start3A_685 = arith.constant 0 : i32
      %dma_start3A_686 = tpu.memref_slice %arg6[%add3A_680, %dma_start3A_685] : memref<128x128xi32, #tpu.memory_space<vmem>> -> memref<1x128xi32, #tpu.memory_space<vmem>>
      %dma_start3A_687 = tpu.memref_squeeze %dma_start3A_686 : memref<1x128xi32, #tpu.memory_space<vmem>> -> memref<128xi32, #tpu.memory_space<vmem>>
      %dma_start3A_688 = arith.constant 0 : i32
      %dma_start3A_689 = arith.constant 0 : i32
      %dma_start3A_690 = tpu.memref_slice %arg2[%dma_start3A_688, %dma_start3A_689] : memref<4063232x16xf32, #tpu.memory_space<hbm>> -> memref<4063232x16xf32, #tpu.memory_space<hbm>>
      tpu.enqueue_indirect_dma source(%dma_start3A_690 : memref<4063232x16xf32, #tpu.memory_space<hbm>>) target(%dma_start3A_684 : memref<128x16xf32, #tpu.memory_space<vmem>>) offsets(%dma_start3A_687 : memref<128xi32, #tpu.memory_space<vmem>>) semaphore(%arg9 : memref<!tpu.dma_semaphore, #tpu.memory_space<semaphore_mem>>)
    }
    %scan3A_335 = arith.constant 8 : i32
    %mul3A_336 = arith.constant 32 : i32
    %mul3A_337 = arith.muli %add3A, %mul3A_336 : i32
    %add3A_338 = arith.constant 2048 : i32
    %add3A_339 = arith.addi %add3A_338, %mul3A_337 : i32
    %add3A_340 = arith.constant 0 : i32
    %add3A_341 = arith.addi %add3A_339, %add3A_340 : i32
    %dma_wait3A_342 = arith.constant 0 : i32
    %dma_wait3A_343 = arith.constant 0 : i32
    %dma_wait3A_344 = tpu.memref_slice %arg4[%add3A_341, %dma_wait3A_342, %dma_wait3A_343] : memref<4096x128x16xf32, #tpu.memory_space<hbm>> -> memref<8x128x16xf32, #tpu.memory_space<hbm>>
    %dma_wait3A_345 = arith.constant 0 : i32
    %dma_wait3A_346 = arith.constant 0 : i32
    %dma_wait3A_347 = tpu.memref_slice %arg4[%add3A_341, %dma_wait3A_345, %dma_wait3A_346] : memref<4096x128x16xf32, #tpu.memory_space<hbm>> -> memref<8x128x16xf32, #tpu.memory_space<hbm>>
    tpu.wait_dma2 semaphore(%arg9 : memref<!tpu.dma_semaphore, #tpu.memory_space<semaphore_mem>>) src(%dma_wait3A_347 : memref<8x128x16xf32, #tpu.memory_space<hbm>>) dst(%arg7 : memref<8x128x16xf32, #tpu.memory_space<vmem>>)
    %mul3A_348 = arith.constant 32 : i32
    %mul3A_349 = arith.muli %add3A, %mul3A_348 : i32
    %add3A_350 = arith.constant 2048 : i32
    %add3A_351 = arith.addi %add3A_350, %mul3A_349 : i32
    %add3A_352 = arith.constant 0 : i32
    %add3A_353 = arith.addi %add3A_351, %add3A_352 : i32
    %dma_start3A_354 = arith.constant 0 : i32
    %dma_start3A_355 = arith.constant 0 : i32
    %dma_start3A_356 = tpu.memref_slice %arg4[%add3A_353, %dma_start3A_354, %dma_start3A_355] : memref<4096x128x16xf32, #tpu.memory_space<hbm>> -> memref<8x128x16xf32, #tpu.memory_space<hbm>>
    %dma_start3A_357 = arith.constant 0 : i32
    %dma_start3A_358 = arith.constant 0 : i32
    %dma_start3A_359 = tpu.memref_slice %arg4[%add3A_353, %dma_start3A_357, %dma_start3A_358] : memref<4096x128x16xf32, #tpu.memory_space<hbm>> -> memref<8x128x16xf32, #tpu.memory_space<hbm>>
    tpu.enqueue_dma source(%arg7 : memref<8x128x16xf32, #tpu.memory_space<vmem>>) target(%dma_start3A_359 : memref<8x128x16xf32, #tpu.memory_space<hbm>>) target_semaphore(%arg10 : memref<!tpu.dma_semaphore, #tpu.memory_space<semaphore_mem>>)
    %mul3A_360 = arith.constant 32 : i32
    %mul3A_361 = arith.muli %add3A, %mul3A_360 : i32
    %add3A_362 = arith.constant 1024 : i32
    %add3A_363 = arith.addi %add3A_362, %mul3A_361 : i32
    %add3A_364 = arith.constant 24 : i32
    %add3A_365 = arith.addi %add3A_363, %add3A_364 : i32
    %dma_wait3A_366 = arith.constant 0 : i32
    %dma_wait3A_367 = arith.constant 0 : i32
    %dma_wait3A_368 = tpu.memref_slice %arg4[%add3A_365, %dma_wait3A_366, %dma_wait3A_367] : memref<4096x128x16xf32, #tpu.memory_space<hbm>> -> memref<8x128x16xf32, #tpu.memory_space<hbm>>
    %dma_wait3A_369 = arith.constant 0 : i32
    %dma_wait3A_370 = arith.constant 0 : i32
    %dma_wait3A_371 = tpu.memref_slice %arg4[%add3A_365, %dma_wait3A_369, %dma_wait3A_370] : memref<4096x128x16xf32, #tpu.memory_space<hbm>> -> memref<8x128x16xf32, #tpu.memory_space<hbm>>
    tpu.wait_dma2 semaphore(%arg10 : memref<!tpu.dma_semaphore, #tpu.memory_space<semaphore_mem>>) src(%arg8 : memref<8x128x16xf32, #tpu.memory_space<vmem>>) dst(%dma_wait3A_371 : memref<8x128x16xf32, #tpu.memory_space<hbm>>)
    %scan3A_372 = arith.constant 0 : i32
    %scan3A_373 = arith.constant 0 : i32
    %scan3A_374 = arith.constant 8 : i32
    %scan3A_375 = arith.addi %scan3A_373, %scan3A_374 : i32
    %scan3A_376 = arith.constant 1 : i32
    scf.for %scan3A_678 = %scan3A_373 to %scan3A_375 step %scan3A_376  : i32 {
      %add3A_679 = arith.constant 72 : i32
      %add3A_680 = arith.addi %add3A_679, %scan3A_678 : i32
      %dma_start3A_681 = arith.constant 0 : i32
      %dma_start3A_682 = arith.constant 0 : i32
      %dma_start3A_683 = tpu.memref_slice %arg8[%scan3A_678, %dma_start3A_681, %dma_start3A_682] : memref<8x128x16xf32, #tpu.memory_space<vmem>> -> memref<1x128x16xf32, #tpu.memory_space<vmem>>
      %dma_start3A_684 = tpu.memref_squeeze %dma_start3A_683 : memref<1x128x16xf32, #tpu.memory_space<vmem>> -> memref<128x16xf32, #tpu.memory_space<vmem>>
      %dma_start3A_685 = arith.constant 0 : i32
      %dma_start3A_686 = tpu.memref_slice %arg6[%add3A_680, %dma_start3A_685] : memref<128x128xi32, #tpu.memory_space<vmem>> -> memref<1x128xi32, #tpu.memory_space<vmem>>
      %dma_start3A_687 = tpu.memref_squeeze %dma_start3A_686 : memref<1x128xi32, #tpu.memory_space<vmem>> -> memref<128xi32, #tpu.memory_space<vmem>>
      %dma_start3A_688 = arith.constant 0 : i32
      %dma_start3A_689 = arith.constant 0 : i32
      %dma_start3A_690 = tpu.memref_slice %arg2[%dma_start3A_688, %dma_start3A_689] : memref<4063232x16xf32, #tpu.memory_space<hbm>> -> memref<4063232x16xf32, #tpu.memory_space<hbm>>
      tpu.enqueue_indirect_dma source(%dma_start3A_690 : memref<4063232x16xf32, #tpu.memory_space<hbm>>) target(%dma_start3A_684 : memref<128x16xf32, #tpu.memory_space<vmem>>) offsets(%dma_start3A_687 : memref<128xi32, #tpu.memory_space<vmem>>) semaphore(%arg9 : memref<!tpu.dma_semaphore, #tpu.memory_space<semaphore_mem>>)
    }
    %scan3A_377 = arith.constant 8 : i32
    %mul3A_378 = arith.constant 32 : i32
    %mul3A_379 = arith.muli %add3A, %mul3A_378 : i32
    %add3A_380 = arith.constant 2048 : i32
    %add3A_381 = arith.addi %add3A_380, %mul3A_379 : i32
    %add3A_382 = arith.constant 8 : i32
    %add3A_383 = arith.addi %add3A_381, %add3A_382 : i32
    %dma_wait3A_384 = arith.constant 0 : i32
    %dma_wait3A_385 = arith.constant 0 : i32
    %dma_wait3A_386 = tpu.memref_slice %arg4[%add3A_383, %dma_wait3A_384, %dma_wait3A_385] : memref<4096x128x16xf32, #tpu.memory_space<hbm>> -> memref<8x128x16xf32, #tpu.memory_space<hbm>>
    %dma_wait3A_387 = arith.constant 0 : i32
    %dma_wait3A_388 = arith.constant 0 : i32
    %dma_wait3A_389 = tpu.memref_slice %arg4[%add3A_383, %dma_wait3A_387, %dma_wait3A_388] : memref<4096x128x16xf32, #tpu.memory_space<hbm>> -> memref<8x128x16xf32, #tpu.memory_space<hbm>>
    tpu.wait_dma2 semaphore(%arg9 : memref<!tpu.dma_semaphore, #tpu.memory_space<semaphore_mem>>) src(%dma_wait3A_389 : memref<8x128x16xf32, #tpu.memory_space<hbm>>) dst(%arg8 : memref<8x128x16xf32, #tpu.memory_space<vmem>>)
    %mul3A_390 = arith.constant 32 : i32
    %mul3A_391 = arith.muli %add3A, %mul3A_390 : i32
    %add3A_392 = arith.constant 2048 : i32
    %add3A_393 = arith.addi %add3A_392, %mul3A_391 : i32
    %add3A_394 = arith.constant 8 : i32
    %add3A_395 = arith.addi %add3A_393, %add3A_394 : i32
    %dma_start3A_396 = arith.constant 0 : i32
    %dma_start3A_397 = arith.constant 0 : i32
    %dma_start3A_398 = tpu.memref_slice %arg4[%add3A_395, %dma_start3A_396, %dma_start3A_397] : memref<4096x128x16xf32, #tpu.memory_space<hbm>> -> memref<8x128x16xf32, #tpu.memory_space<hbm>>
    %dma_start3A_399 = arith.constant 0 : i32
    %dma_start3A_400 = arith.constant 0 : i32
    %dma_start3A_401 = tpu.memref_slice %arg4[%add3A_395, %dma_start3A_399, %dma_start3A_400] : memref<4096x128x16xf32, #tpu.memory_space<hbm>> -> memref<8x128x16xf32, #tpu.memory_space<hbm>>
    tpu.enqueue_dma source(%arg8 : memref<8x128x16xf32, #tpu.memory_space<vmem>>) target(%dma_start3A_401 : memref<8x128x16xf32, #tpu.memory_space<hbm>>) target_semaphore(%arg10 : memref<!tpu.dma_semaphore, #tpu.memory_space<semaphore_mem>>)
    %mul3A_402 = arith.constant 32 : i32
    %mul3A_403 = arith.muli %add3A, %mul3A_402 : i32
    %add3A_404 = arith.constant 2048 : i32
    %add3A_405 = arith.addi %add3A_404, %mul3A_403 : i32
    %add3A_406 = arith.constant 0 : i32
    %add3A_407 = arith.addi %add3A_405, %add3A_406 : i32
    %dma_wait3A_408 = arith.constant 0 : i32
    %dma_wait3A_409 = arith.constant 0 : i32
    %dma_wait3A_410 = tpu.memref_slice %arg4[%add3A_407, %dma_wait3A_408, %dma_wait3A_409] : memref<4096x128x16xf32, #tpu.memory_space<hbm>> -> memref<8x128x16xf32, #tpu.memory_space<hbm>>
    %dma_wait3A_411 = arith.constant 0 : i32
    %dma_wait3A_412 = arith.constant 0 : i32
    %dma_wait3A_413 = tpu.memref_slice %arg4[%add3A_407, %dma_wait3A_411, %dma_wait3A_412] : memref<4096x128x16xf32, #tpu.memory_space<hbm>> -> memref<8x128x16xf32, #tpu.memory_space<hbm>>
    tpu.wait_dma2 semaphore(%arg10 : memref<!tpu.dma_semaphore, #tpu.memory_space<semaphore_mem>>) src(%arg7 : memref<8x128x16xf32, #tpu.memory_space<vmem>>) dst(%dma_wait3A_413 : memref<8x128x16xf32, #tpu.memory_space<hbm>>)
    %scan3A_414 = arith.constant 0 : i32
    %scan3A_415 = arith.constant 0 : i32
    %scan3A_416 = arith.constant 8 : i32
    %scan3A_417 = arith.addi %scan3A_415, %scan3A_416 : i32
    %scan3A_418 = arith.constant 1 : i32
    scf.for %scan3A_678 = %scan3A_415 to %scan3A_417 step %scan3A_418  : i32 {
      %add3A_679 = arith.constant 80 : i32
      %add3A_680 = arith.addi %add3A_679, %scan3A_678 : i32
      %dma_start3A_681 = arith.constant 0 : i32
      %dma_start3A_682 = arith.constant 0 : i32
      %dma_start3A_683 = tpu.memref_slice %arg7[%scan3A_678, %dma_start3A_681, %dma_start3A_682] : memref<8x128x16xf32, #tpu.memory_space<vmem>> -> memref<1x128x16xf32, #tpu.memory_space<vmem>>
      %dma_start3A_684 = tpu.memref_squeeze %dma_start3A_683 : memref<1x128x16xf32, #tpu.memory_space<vmem>> -> memref<128x16xf32, #tpu.memory_space<vmem>>
      %dma_start3A_685 = arith.constant 0 : i32
      %dma_start3A_686 = tpu.memref_slice %arg6[%add3A_680, %dma_start3A_685] : memref<128x128xi32, #tpu.memory_space<vmem>> -> memref<1x128xi32, #tpu.memory_space<vmem>>
      %dma_start3A_687 = tpu.memref_squeeze %dma_start3A_686 : memref<1x128xi32, #tpu.memory_space<vmem>> -> memref<128xi32, #tpu.memory_space<vmem>>
      %dma_start3A_688 = arith.constant 0 : i32
      %dma_start3A_689 = arith.constant 0 : i32
      %dma_start3A_690 = tpu.memref_slice %arg2[%dma_start3A_688, %dma_start3A_689] : memref<4063232x16xf32, #tpu.memory_space<hbm>> -> memref<4063232x16xf32, #tpu.memory_space<hbm>>
      tpu.enqueue_indirect_dma source(%dma_start3A_690 : memref<4063232x16xf32, #tpu.memory_space<hbm>>) target(%dma_start3A_684 : memref<128x16xf32, #tpu.memory_space<vmem>>) offsets(%dma_start3A_687 : memref<128xi32, #tpu.memory_space<vmem>>) semaphore(%arg9 : memref<!tpu.dma_semaphore, #tpu.memory_space<semaphore_mem>>)
    }
    %scan3A_419 = arith.constant 8 : i32
    %mul3A_420 = arith.constant 32 : i32
    %mul3A_421 = arith.muli %add3A, %mul3A_420 : i32
    %add3A_422 = arith.constant 2048 : i32
    %add3A_423 = arith.addi %add3A_422, %mul3A_421 : i32
    %add3A_424 = arith.constant 16 : i32
    %add3A_425 = arith.addi %add3A_423, %add3A_424 : i32
    %dma_wait3A_426 = arith.constant 0 : i32
    %dma_wait3A_427 = arith.constant 0 : i32
    %dma_wait3A_428 = tpu.memref_slice %arg4[%add3A_425, %dma_wait3A_426, %dma_wait3A_427] : memref<4096x128x16xf32, #tpu.memory_space<hbm>> -> memref<8x128x16xf32, #tpu.memory_space<hbm>>
    %dma_wait3A_429 = arith.constant 0 : i32
    %dma_wait3A_430 = arith.constant 0 : i32
    %dma_wait3A_431 = tpu.memref_slice %arg4[%add3A_425, %dma_wait3A_429, %dma_wait3A_430] : memref<4096x128x16xf32, #tpu.memory_space<hbm>> -> memref<8x128x16xf32, #tpu.memory_space<hbm>>
    tpu.wait_dma2 semaphore(%arg9 : memref<!tpu.dma_semaphore, #tpu.memory_space<semaphore_mem>>) src(%dma_wait3A_431 : memref<8x128x16xf32, #tpu.memory_space<hbm>>) dst(%arg7 : memref<8x128x16xf32, #tpu.memory_space<vmem>>)
    %mul3A_432 = arith.constant 32 : i32
    %mul3A_433 = arith.muli %add3A, %mul3A_432 : i32
    %add3A_434 = arith.constant 2048 : i32
    %add3A_435 = arith.addi %add3A_434, %mul3A_433 : i32
    %add3A_436 = arith.constant 16 : i32
    %add3A_437 = arith.addi %add3A_435, %add3A_436 : i32
    %dma_start3A_438 = arith.constant 0 : i32
    %dma_start3A_439 = arith.constant 0 : i32
    %dma_start3A_440 = tpu.memref_slice %arg4[%add3A_437, %dma_start3A_438, %dma_start3A_439] : memref<4096x128x16xf32, #tpu.memory_space<hbm>> -> memref<8x128x16xf32, #tpu.memory_space<hbm>>
    %dma_start3A_441 = arith.constant 0 : i32
    %dma_start3A_442 = arith.constant 0 : i32
    %dma_start3A_443 = tpu.memref_slice %arg4[%add3A_437, %dma_start3A_441, %dma_start3A_442] : memref<4096x128x16xf32, #tpu.memory_space<hbm>> -> memref<8x128x16xf32, #tpu.memory_space<hbm>>
    tpu.enqueue_dma source(%arg7 : memref<8x128x16xf32, #tpu.memory_space<vmem>>) target(%dma_start3A_443 : memref<8x128x16xf32, #tpu.memory_space<hbm>>) target_semaphore(%arg10 : memref<!tpu.dma_semaphore, #tpu.memory_space<semaphore_mem>>)
    %mul3A_444 = arith.constant 32 : i32
    %mul3A_445 = arith.muli %add3A, %mul3A_444 : i32
    %add3A_446 = arith.constant 2048 : i32
    %add3A_447 = arith.addi %add3A_446, %mul3A_445 : i32
    %add3A_448 = arith.constant 8 : i32
    %add3A_449 = arith.addi %add3A_447, %add3A_448 : i32
    %dma_wait3A_450 = arith.constant 0 : i32
    %dma_wait3A_451 = arith.constant 0 : i32
    %dma_wait3A_452 = tpu.memref_slice %arg4[%add3A_449, %dma_wait3A_450, %dma_wait3A_451] : memref<4096x128x16xf32, #tpu.memory_space<hbm>> -> memref<8x128x16xf32, #tpu.memory_space<hbm>>
    %dma_wait3A_453 = arith.constant 0 : i32
    %dma_wait3A_454 = arith.constant 0 : i32
    %dma_wait3A_455 = tpu.memref_slice %arg4[%add3A_449, %dma_wait3A_453, %dma_wait3A_454] : memref<4096x128x16xf32, #tpu.memory_space<hbm>> -> memref<8x128x16xf32, #tpu.memory_space<hbm>>
    tpu.wait_dma2 semaphore(%arg10 : memref<!tpu.dma_semaphore, #tpu.memory_space<semaphore_mem>>) src(%arg8 : memref<8x128x16xf32, #tpu.memory_space<vmem>>) dst(%dma_wait3A_455 : memref<8x128x16xf32, #tpu.memory_space<hbm>>)
    %scan3A_456 = arith.constant 0 : i32
    %scan3A_457 = arith.constant 0 : i32
    %scan3A_458 = arith.constant 8 : i32
    %scan3A_459 = arith.addi %scan3A_457, %scan3A_458 : i32
    %scan3A_460 = arith.constant 1 : i32
    scf.for %scan3A_678 = %scan3A_457 to %scan3A_459 step %scan3A_460  : i32 {
      %add3A_679 = arith.constant 88 : i32
      %add3A_680 = arith.addi %add3A_679, %scan3A_678 : i32
      %dma_start3A_681 = arith.constant 0 : i32
      %dma_start3A_682 = arith.constant 0 : i32
      %dma_start3A_683 = tpu.memref_slice %arg8[%scan3A_678, %dma_start3A_681, %dma_start3A_682] : memref<8x128x16xf32, #tpu.memory_space<vmem>> -> memref<1x128x16xf32, #tpu.memory_space<vmem>>
      %dma_start3A_684 = tpu.memref_squeeze %dma_start3A_683 : memref<1x128x16xf32, #tpu.memory_space<vmem>> -> memref<128x16xf32, #tpu.memory_space<vmem>>
      %dma_start3A_685 = arith.constant 0 : i32
      %dma_start3A_686 = tpu.memref_slice %arg6[%add3A_680, %dma_start3A_685] : memref<128x128xi32, #tpu.memory_space<vmem>> -> memref<1x128xi32, #tpu.memory_space<vmem>>
      %dma_start3A_687 = tpu.memref_squeeze %dma_start3A_686 : memref<1x128xi32, #tpu.memory_space<vmem>> -> memref<128xi32, #tpu.memory_space<vmem>>
      %dma_start3A_688 = arith.constant 0 : i32
      %dma_start3A_689 = arith.constant 0 : i32
      %dma_start3A_690 = tpu.memref_slice %arg2[%dma_start3A_688, %dma_start3A_689] : memref<4063232x16xf32, #tpu.memory_space<hbm>> -> memref<4063232x16xf32, #tpu.memory_space<hbm>>
      tpu.enqueue_indirect_dma source(%dma_start3A_690 : memref<4063232x16xf32, #tpu.memory_space<hbm>>) target(%dma_start3A_684 : memref<128x16xf32, #tpu.memory_space<vmem>>) offsets(%dma_start3A_687 : memref<128xi32, #tpu.memory_space<vmem>>) semaphore(%arg9 : memref<!tpu.dma_semaphore, #tpu.memory_space<semaphore_mem>>)
    }
    %scan3A_461 = arith.constant 8 : i32
    %mul3A_462 = arith.constant 32 : i32
    %mul3A_463 = arith.muli %add3A, %mul3A_462 : i32
    %add3A_464 = arith.constant 2048 : i32
    %add3A_465 = arith.addi %add3A_464, %mul3A_463 : i32
    %add3A_466 = arith.constant 24 : i32
    %add3A_467 = arith.addi %add3A_465, %add3A_466 : i32
    %dma_wait3A_468 = arith.constant 0 : i32
    %dma_wait3A_469 = arith.constant 0 : i32
    %dma_wait3A_470 = tpu.memref_slice %arg4[%add3A_467, %dma_wait3A_468, %dma_wait3A_469] : memref<4096x128x16xf32, #tpu.memory_space<hbm>> -> memref<8x128x16xf32, #tpu.memory_space<hbm>>
    %dma_wait3A_471 = arith.constant 0 : i32
    %dma_wait3A_472 = arith.constant 0 : i32
    %dma_wait3A_473 = tpu.memref_slice %arg4[%add3A_467, %dma_wait3A_471, %dma_wait3A_472] : memref<4096x128x16xf32, #tpu.memory_space<hbm>> -> memref<8x128x16xf32, #tpu.memory_space<hbm>>
    tpu.wait_dma2 semaphore(%arg9 : memref<!tpu.dma_semaphore, #tpu.memory_space<semaphore_mem>>) src(%dma_wait3A_473 : memref<8x128x16xf32, #tpu.memory_space<hbm>>) dst(%arg8 : memref<8x128x16xf32, #tpu.memory_space<vmem>>)
    %mul3A_474 = arith.constant 32 : i32
    %mul3A_475 = arith.muli %add3A, %mul3A_474 : i32
    %add3A_476 = arith.constant 2048 : i32
    %add3A_477 = arith.addi %add3A_476, %mul3A_475 : i32
    %add3A_478 = arith.constant 24 : i32
    %add3A_479 = arith.addi %add3A_477, %add3A_478 : i32
    %dma_start3A_480 = arith.constant 0 : i32
    %dma_start3A_481 = arith.constant 0 : i32
    %dma_start3A_482 = tpu.memref_slice %arg4[%add3A_479, %dma_start3A_480, %dma_start3A_481] : memref<4096x128x16xf32, #tpu.memory_space<hbm>> -> memref<8x128x16xf32, #tpu.memory_space<hbm>>
    %dma_start3A_483 = arith.constant 0 : i32
    %dma_start3A_484 = arith.constant 0 : i32
    %dma_start3A_485 = tpu.memref_slice %arg4[%add3A_479, %dma_start3A_483, %dma_start3A_484] : memref<4096x128x16xf32, #tpu.memory_space<hbm>> -> memref<8x128x16xf32, #tpu.memory_space<hbm>>
    tpu.enqueue_dma source(%arg8 : memref<8x128x16xf32, #tpu.memory_space<vmem>>) target(%dma_start3A_485 : memref<8x128x16xf32, #tpu.memory_space<hbm>>) target_semaphore(%arg10 : memref<!tpu.dma_semaphore, #tpu.memory_space<semaphore_mem>>)
    %mul3A_486 = arith.constant 32 : i32
    %mul3A_487 = arith.muli %add3A, %mul3A_486 : i32
    %add3A_488 = arith.constant 2048 : i32
    %add3A_489 = arith.addi %add3A_488, %mul3A_487 : i32
    %add3A_490 = arith.constant 16 : i32
    %add3A_491 = arith.addi %add3A_489, %add3A_490 : i32
    %dma_wait3A_492 = arith.constant 0 : i32
    %dma_wait3A_493 = arith.constant 0 : i32
    %dma_wait3A_494 = tpu.memref_slice %arg4[%add3A_491, %dma_wait3A_492, %dma_wait3A_493] : memref<4096x128x16xf32, #tpu.memory_space<hbm>> -> memref<8x128x16xf32, #tpu.memory_space<hbm>>
    %dma_wait3A_495 = arith.constant 0 : i32
    %dma_wait3A_496 = arith.constant 0 : i32
    %dma_wait3A_497 = tpu.memref_slice %arg4[%add3A_491, %dma_wait3A_495, %dma_wait3A_496] : memref<4096x128x16xf32, #tpu.memory_space<hbm>> -> memref<8x128x16xf32, #tpu.memory_space<hbm>>
    tpu.wait_dma2 semaphore(%arg10 : memref<!tpu.dma_semaphore, #tpu.memory_space<semaphore_mem>>) src(%arg7 : memref<8x128x16xf32, #tpu.memory_space<vmem>>) dst(%dma_wait3A_497 : memref<8x128x16xf32, #tpu.memory_space<hbm>>)
    %scan3A_498 = arith.constant 0 : i32
    %scan3A_499 = arith.constant 0 : i32
    %scan3A_500 = arith.constant 8 : i32
    %scan3A_501 = arith.addi %scan3A_499, %scan3A_500 : i32
    %scan3A_502 = arith.constant 1 : i32
    scf.for %scan3A_678 = %scan3A_499 to %scan3A_501 step %scan3A_502  : i32 {
      %add3A_679 = arith.constant 96 : i32
      %add3A_680 = arith.addi %add3A_679, %scan3A_678 : i32
      %dma_start3A_681 = arith.constant 0 : i32
      %dma_start3A_682 = arith.constant 0 : i32
      %dma_start3A_683 = tpu.memref_slice %arg7[%scan3A_678, %dma_start3A_681, %dma_start3A_682] : memref<8x128x16xf32, #tpu.memory_space<vmem>> -> memref<1x128x16xf32, #tpu.memory_space<vmem>>
      %dma_start3A_684 = tpu.memref_squeeze %dma_start3A_683 : memref<1x128x16xf32, #tpu.memory_space<vmem>> -> memref<128x16xf32, #tpu.memory_space<vmem>>
      %dma_start3A_685 = arith.constant 0 : i32
      %dma_start3A_686 = tpu.memref_slice %arg6[%add3A_680, %dma_start3A_685] : memref<128x128xi32, #tpu.memory_space<vmem>> -> memref<1x128xi32, #tpu.memory_space<vmem>>
      %dma_start3A_687 = tpu.memref_squeeze %dma_start3A_686 : memref<1x128xi32, #tpu.memory_space<vmem>> -> memref<128xi32, #tpu.memory_space<vmem>>
      %dma_start3A_688 = arith.constant 0 : i32
      %dma_start3A_689 = arith.constant 0 : i32
      %dma_start3A_690 = tpu.memref_slice %arg2[%dma_start3A_688, %dma_start3A_689] : memref<4063232x16xf32, #tpu.memory_space<hbm>> -> memref<4063232x16xf32, #tpu.memory_space<hbm>>
      tpu.enqueue_indirect_dma source(%dma_start3A_690 : memref<4063232x16xf32, #tpu.memory_space<hbm>>) target(%dma_start3A_684 : memref<128x16xf32, #tpu.memory_space<vmem>>) offsets(%dma_start3A_687 : memref<128xi32, #tpu.memory_space<vmem>>) semaphore(%arg9 : memref<!tpu.dma_semaphore, #tpu.memory_space<semaphore_mem>>)
    }
    %scan3A_503 = arith.constant 8 : i32
    %mul3A_504 = arith.constant 32 : i32
    %mul3A_505 = arith.muli %add3A, %mul3A_504 : i32
    %add3A_506 = arith.constant 3072 : i32
    %add3A_507 = arith.addi %add3A_506, %mul3A_505 : i32
    %add3A_508 = arith.constant 0 : i32
    %add3A_509 = arith.addi %add3A_507, %add3A_508 : i32
    %dma_wait3A_510 = arith.constant 0 : i32
    %dma_wait3A_511 = arith.constant 0 : i32
    %dma_wait3A_512 = tpu.memref_slice %arg4[%add3A_509, %dma_wait3A_510, %dma_wait3A_511] : memref<4096x128x16xf32, #tpu.memory_space<hbm>> -> memref<8x128x16xf32, #tpu.memory_space<hbm>>
    %dma_wait3A_513 = arith.constant 0 : i32
    %dma_wait3A_514 = arith.constant 0 : i32
    %dma_wait3A_515 = tpu.memref_slice %arg4[%add3A_509, %dma_wait3A_513, %dma_wait3A_514] : memref<4096x128x16xf32, #tpu.memory_space<hbm>> -> memref<8x128x16xf32, #tpu.memory_space<hbm>>
    tpu.wait_dma2 semaphore(%arg9 : memref<!tpu.dma_semaphore, #tpu.memory_space<semaphore_mem>>) src(%dma_wait3A_515 : memref<8x128x16xf32, #tpu.memory_space<hbm>>) dst(%arg7 : memref<8x128x16xf32, #tpu.memory_space<vmem>>)
    %mul3A_516 = arith.constant 32 : i32
    %mul3A_517 = arith.muli %add3A, %mul3A_516 : i32
    %add3A_518 = arith.constant 3072 : i32
    %add3A_519 = arith.addi %add3A_518, %mul3A_517 : i32
    %add3A_520 = arith.constant 0 : i32
    %add3A_521 = arith.addi %add3A_519, %add3A_520 : i32
    %dma_start3A_522 = arith.constant 0 : i32
    %dma_start3A_523 = arith.constant 0 : i32
    %dma_start3A_524 = tpu.memref_slice %arg4[%add3A_521, %dma_start3A_522, %dma_start3A_523] : memref<4096x128x16xf32, #tpu.memory_space<hbm>> -> memref<8x128x16xf32, #tpu.memory_space<hbm>>
    %dma_start3A_525 = arith.constant 0 : i32
    %dma_start3A_526 = arith.constant 0 : i32
    %dma_start3A_527 = tpu.memref_slice %arg4[%add3A_521, %dma_start3A_525, %dma_start3A_526] : memref<4096x128x16xf32, #tpu.memory_space<hbm>> -> memref<8x128x16xf32, #tpu.memory_space<hbm>>
    tpu.enqueue_dma source(%arg7 : memref<8x128x16xf32, #tpu.memory_space<vmem>>) target(%dma_start3A_527 : memref<8x128x16xf32, #tpu.memory_space<hbm>>) target_semaphore(%arg10 : memref<!tpu.dma_semaphore, #tpu.memory_space<semaphore_mem>>)
    %mul3A_528 = arith.constant 32 : i32
    %mul3A_529 = arith.muli %add3A, %mul3A_528 : i32
    %add3A_530 = arith.constant 2048 : i32
    %add3A_531 = arith.addi %add3A_530, %mul3A_529 : i32
    %add3A_532 = arith.constant 24 : i32
    %add3A_533 = arith.addi %add3A_531, %add3A_532 : i32
    %dma_wait3A_534 = arith.constant 0 : i32
    %dma_wait3A_535 = arith.constant 0 : i32
    %dma_wait3A_536 = tpu.memref_slice %arg4[%add3A_533, %dma_wait3A_534, %dma_wait3A_535] : memref<4096x128x16xf32, #tpu.memory_space<hbm>> -> memref<8x128x16xf32, #tpu.memory_space<hbm>>
    %dma_wait3A_537 = arith.constant 0 : i32
    %dma_wait3A_538 = arith.constant 0 : i32
    %dma_wait3A_539 = tpu.memref_slice %arg4[%add3A_533, %dma_wait3A_537, %dma_wait3A_538] : memref<4096x128x16xf32, #tpu.memory_space<hbm>> -> memref<8x128x16xf32, #tpu.memory_space<hbm>>
    tpu.wait_dma2 semaphore(%arg10 : memref<!tpu.dma_semaphore, #tpu.memory_space<semaphore_mem>>) src(%arg8 : memref<8x128x16xf32, #tpu.memory_space<vmem>>) dst(%dma_wait3A_539 : memref<8x128x16xf32, #tpu.memory_space<hbm>>)
    %scan3A_540 = arith.constant 0 : i32
    %scan3A_541 = arith.constant 0 : i32
    %scan3A_542 = arith.constant 8 : i32
    %scan3A_543 = arith.addi %scan3A_541, %scan3A_542 : i32
    %scan3A_544 = arith.constant 1 : i32
    scf.for %scan3A_678 = %scan3A_541 to %scan3A_543 step %scan3A_544  : i32 {
      %add3A_679 = arith.constant 104 : i32
      %add3A_680 = arith.addi %add3A_679, %scan3A_678 : i32
      %dma_start3A_681 = arith.constant 0 : i32
      %dma_start3A_682 = arith.constant 0 : i32
      %dma_start3A_683 = tpu.memref_slice %arg8[%scan3A_678, %dma_start3A_681, %dma_start3A_682] : memref<8x128x16xf32, #tpu.memory_space<vmem>> -> memref<1x128x16xf32, #tpu.memory_space<vmem>>
      %dma_start3A_684 = tpu.memref_squeeze %dma_start3A_683 : memref<1x128x16xf32, #tpu.memory_space<vmem>> -> memref<128x16xf32, #tpu.memory_space<vmem>>
      %dma_start3A_685 = arith.constant 0 : i32
      %dma_start3A_686 = tpu.memref_slice %arg6[%add3A_680, %dma_start3A_685] : memref<128x128xi32, #tpu.memory_space<vmem>> -> memref<1x128xi32, #tpu.memory_space<vmem>>
      %dma_start3A_687 = tpu.memref_squeeze %dma_start3A_686 : memref<1x128xi32, #tpu.memory_space<vmem>> -> memref<128xi32, #tpu.memory_space<vmem>>
      %dma_start3A_688 = arith.constant 0 : i32
      %dma_start3A_689 = arith.constant 0 : i32
      %dma_start3A_690 = tpu.memref_slice %arg2[%dma_start3A_688, %dma_start3A_689] : memref<4063232x16xf32, #tpu.memory_space<hbm>> -> memref<4063232x16xf32, #tpu.memory_space<hbm>>
      tpu.enqueue_indirect_dma source(%dma_start3A_690 : memref<4063232x16xf32, #tpu.memory_space<hbm>>) target(%dma_start3A_684 : memref<128x16xf32, #tpu.memory_space<vmem>>) offsets(%dma_start3A_687 : memref<128xi32, #tpu.memory_space<vmem>>) semaphore(%arg9 : memref<!tpu.dma_semaphore, #tpu.memory_space<semaphore_mem>>)
    }
    %scan3A_545 = arith.constant 8 : i32
    %mul3A_546 = arith.constant 32 : i32
    %mul3A_547 = arith.muli %add3A, %mul3A_546 : i32
    %add3A_548 = arith.constant 3072 : i32
    %add3A_549 = arith.addi %add3A_548, %mul3A_547 : i32
    %add3A_550 = arith.constant 8 : i32
    %add3A_551 = arith.addi %add3A_549, %add3A_550 : i32
    %dma_wait3A_552 = arith.constant 0 : i32
    %dma_wait3A_553 = arith.constant 0 : i32
    %dma_wait3A_554 = tpu.memref_slice %arg4[%add3A_551, %dma_wait3A_552, %dma_wait3A_553] : memref<4096x128x16xf32, #tpu.memory_space<hbm>> -> memref<8x128x16xf32, #tpu.memory_space<hbm>>
    %dma_wait3A_555 = arith.constant 0 : i32
    %dma_wait3A_556 = arith.constant 0 : i32
    %dma_wait3A_557 = tpu.memref_slice %arg4[%add3A_551, %dma_wait3A_555, %dma_wait3A_556] : memref<4096x128x16xf32, #tpu.memory_space<hbm>> -> memref<8x128x16xf32, #tpu.memory_space<hbm>>
    tpu.wait_dma2 semaphore(%arg9 : memref<!tpu.dma_semaphore, #tpu.memory_space<semaphore_mem>>) src(%dma_wait3A_557 : memref<8x128x16xf32, #tpu.memory_space<hbm>>) dst(%arg8 : memref<8x128x16xf32, #tpu.memory_space<vmem>>)
    %mul3A_558 = arith.constant 32 : i32
    %mul3A_559 = arith.muli %add3A, %mul3A_558 : i32
    %add3A_560 = arith.constant 3072 : i32
    %add3A_561 = arith.addi %add3A_560, %mul3A_559 : i32
    %add3A_562 = arith.constant 8 : i32
    %add3A_563 = arith.addi %add3A_561, %add3A_562 : i32
    %dma_start3A_564 = arith.constant 0 : i32
    %dma_start3A_565 = arith.constant 0 : i32
    %dma_start3A_566 = tpu.memref_slice %arg4[%add3A_563, %dma_start3A_564, %dma_start3A_565] : memref<4096x128x16xf32, #tpu.memory_space<hbm>> -> memref<8x128x16xf32, #tpu.memory_space<hbm>>
    %dma_start3A_567 = arith.constant 0 : i32
    %dma_start3A_568 = arith.constant 0 : i32
    %dma_start3A_569 = tpu.memref_slice %arg4[%add3A_563, %dma_start3A_567, %dma_start3A_568] : memref<4096x128x16xf32, #tpu.memory_space<hbm>> -> memref<8x128x16xf32, #tpu.memory_space<hbm>>
    tpu.enqueue_dma source(%arg8 : memref<8x128x16xf32, #tpu.memory_space<vmem>>) target(%dma_start3A_569 : memref<8x128x16xf32, #tpu.memory_space<hbm>>) target_semaphore(%arg10 : memref<!tpu.dma_semaphore, #tpu.memory_space<semaphore_mem>>)
    %mul3A_570 = arith.constant 32 : i32
    %mul3A_571 = arith.muli %add3A, %mul3A_570 : i32
    %add3A_572 = arith.constant 3072 : i32
    %add3A_573 = arith.addi %add3A_572, %mul3A_571 : i32
    %add3A_574 = arith.constant 0 : i32
    %add3A_575 = arith.addi %add3A_573, %add3A_574 : i32
    %dma_wait3A_576 = arith.constant 0 : i32
    %dma_wait3A_577 = arith.constant 0 : i32
    %dma_wait3A_578 = tpu.memref_slice %arg4[%add3A_575, %dma_wait3A_576, %dma_wait3A_577] : memref<4096x128x16xf32, #tpu.memory_space<hbm>> -> memref<8x128x16xf32, #tpu.memory_space<hbm>>
    %dma_wait3A_579 = arith.constant 0 : i32
    %dma_wait3A_580 = arith.constant 0 : i32
    %dma_wait3A_581 = tpu.memref_slice %arg4[%add3A_575, %dma_wait3A_579, %dma_wait3A_580] : memref<4096x128x16xf32, #tpu.memory_space<hbm>> -> memref<8x128x16xf32, #tpu.memory_space<hbm>>
    tpu.wait_dma2 semaphore(%arg10 : memref<!tpu.dma_semaphore, #tpu.memory_space<semaphore_mem>>) src(%arg7 : memref<8x128x16xf32, #tpu.memory_space<vmem>>) dst(%dma_wait3A_581 : memref<8x128x16xf32, #tpu.memory_space<hbm>>)
    %scan3A_582 = arith.constant 0 : i32
    %scan3A_583 = arith.constant 0 : i32
    %scan3A_584 = arith.constant 8 : i32
    %scan3A_585 = arith.addi %scan3A_583, %scan3A_584 : i32
    %scan3A_586 = arith.constant 1 : i32
    scf.for %scan3A_678 = %scan3A_583 to %scan3A_585 step %scan3A_586  : i32 {
      %add3A_679 = arith.constant 112 : i32
      %add3A_680 = arith.addi %add3A_679, %scan3A_678 : i32
      %dma_start3A_681 = arith.constant 0 : i32
      %dma_start3A_682 = arith.constant 0 : i32
      %dma_start3A_683 = tpu.memref_slice %arg7[%scan3A_678, %dma_start3A_681, %dma_start3A_682] : memref<8x128x16xf32, #tpu.memory_space<vmem>> -> memref<1x128x16xf32, #tpu.memory_space<vmem>>
      %dma_start3A_684 = tpu.memref_squeeze %dma_start3A_683 : memref<1x128x16xf32, #tpu.memory_space<vmem>> -> memref<128x16xf32, #tpu.memory_space<vmem>>
      %dma_start3A_685 = arith.constant 0 : i32
      %dma_start3A_686 = tpu.memref_slice %arg6[%add3A_680, %dma_start3A_685] : memref<128x128xi32, #tpu.memory_space<vmem>> -> memref<1x128xi32, #tpu.memory_space<vmem>>
      %dma_start3A_687 = tpu.memref_squeeze %dma_start3A_686 : memref<1x128xi32, #tpu.memory_space<vmem>> -> memref<128xi32, #tpu.memory_space<vmem>>
      %dma_start3A_688 = arith.constant 0 : i32
      %dma_start3A_689 = arith.constant 0 : i32
      %dma_start3A_690 = tpu.memref_slice %arg2[%dma_start3A_688, %dma_start3A_689] : memref<4063232x16xf32, #tpu.memory_space<hbm>> -> memref<4063232x16xf32, #tpu.memory_space<hbm>>
      tpu.enqueue_indirect_dma source(%dma_start3A_690 : memref<4063232x16xf32, #tpu.memory_space<hbm>>) target(%dma_start3A_684 : memref<128x16xf32, #tpu.memory_space<vmem>>) offsets(%dma_start3A_687 : memref<128xi32, #tpu.memory_space<vmem>>) semaphore(%arg9 : memref<!tpu.dma_semaphore, #tpu.memory_space<semaphore_mem>>)
    }
    %scan3A_587 = arith.constant 8 : i32
    %mul3A_588 = arith.constant 32 : i32
    %mul3A_589 = arith.muli %add3A, %mul3A_588 : i32
    %add3A_590 = arith.constant 3072 : i32
    %add3A_591 = arith.addi %add3A_590, %mul3A_589 : i32
    %add3A_592 = arith.constant 16 : i32
    %add3A_593 = arith.addi %add3A_591, %add3A_592 : i32
    %dma_wait3A_594 = arith.constant 0 : i32
    %dma_wait3A_595 = arith.constant 0 : i32
    %dma_wait3A_596 = tpu.memref_slice %arg4[%add3A_593, %dma_wait3A_594, %dma_wait3A_595] : memref<4096x128x16xf32, #tpu.memory_space<hbm>> -> memref<8x128x16xf32, #tpu.memory_space<hbm>>
    %dma_wait3A_597 = arith.constant 0 : i32
    %dma_wait3A_598 = arith.constant 0 : i32
    %dma_wait3A_599 = tpu.memref_slice %arg4[%add3A_593, %dma_wait3A_597, %dma_wait3A_598] : memref<4096x128x16xf32, #tpu.memory_space<hbm>> -> memref<8x128x16xf32, #tpu.memory_space<hbm>>
    tpu.wait_dma2 semaphore(%arg9 : memref<!tpu.dma_semaphore, #tpu.memory_space<semaphore_mem>>) src(%dma_wait3A_599 : memref<8x128x16xf32, #tpu.memory_space<hbm>>) dst(%arg7 : memref<8x128x16xf32, #tpu.memory_space<vmem>>)
    %mul3A_600 = arith.constant 32 : i32
    %mul3A_601 = arith.muli %add3A, %mul3A_600 : i32
    %add3A_602 = arith.constant 3072 : i32
    %add3A_603 = arith.addi %add3A_602, %mul3A_601 : i32
    %add3A_604 = arith.constant 16 : i32
    %add3A_605 = arith.addi %add3A_603, %add3A_604 : i32
    %dma_start3A_606 = arith.constant 0 : i32
    %dma_start3A_607 = arith.constant 0 : i32
    %dma_start3A_608 = tpu.memref_slice %arg4[%add3A_605, %dma_start3A_606, %dma_start3A_607] : memref<4096x128x16xf32, #tpu.memory_space<hbm>> -> memref<8x128x16xf32, #tpu.memory_space<hbm>>
    %dma_start3A_609 = arith.constant 0 : i32
    %dma_start3A_610 = arith.constant 0 : i32
    %dma_start3A_611 = tpu.memref_slice %arg4[%add3A_605, %dma_start3A_609, %dma_start3A_610] : memref<4096x128x16xf32, #tpu.memory_space<hbm>> -> memref<8x128x16xf32, #tpu.memory_space<hbm>>
    tpu.enqueue_dma source(%arg7 : memref<8x128x16xf32, #tpu.memory_space<vmem>>) target(%dma_start3A_611 : memref<8x128x16xf32, #tpu.memory_space<hbm>>) target_semaphore(%arg10 : memref<!tpu.dma_semaphore, #tpu.memory_space<semaphore_mem>>)
    %mul3A_612 = arith.constant 32 : i32
    %mul3A_613 = arith.muli %add3A, %mul3A_612 : i32
    %add3A_614 = arith.constant 3072 : i32
    %add3A_615 = arith.addi %add3A_614, %mul3A_613 : i32
    %add3A_616 = arith.constant 8 : i32
    %add3A_617 = arith.addi %add3A_615, %add3A_616 : i32
    %dma_wait3A_618 = arith.constant 0 : i32
    %dma_wait3A_619 = arith.constant 0 : i32
    %dma_wait3A_620 = tpu.memref_slice %arg4[%add3A_617, %dma_wait3A_618, %dma_wait3A_619] : memref<4096x128x16xf32, #tpu.memory_space<hbm>> -> memref<8x128x16xf32, #tpu.memory_space<hbm>>
    %dma_wait3A_621 = arith.constant 0 : i32
    %dma_wait3A_622 = arith.constant 0 : i32
    %dma_wait3A_623 = tpu.memref_slice %arg4[%add3A_617, %dma_wait3A_621, %dma_wait3A_622] : memref<4096x128x16xf32, #tpu.memory_space<hbm>> -> memref<8x128x16xf32, #tpu.memory_space<hbm>>
    tpu.wait_dma2 semaphore(%arg10 : memref<!tpu.dma_semaphore, #tpu.memory_space<semaphore_mem>>) src(%arg8 : memref<8x128x16xf32, #tpu.memory_space<vmem>>) dst(%dma_wait3A_623 : memref<8x128x16xf32, #tpu.memory_space<hbm>>)
    %scan3A_624 = arith.constant 0 : i32
    %scan3A_625 = arith.constant 0 : i32
    %scan3A_626 = arith.constant 8 : i32
    %scan3A_627 = arith.addi %scan3A_625, %scan3A_626 : i32
    %scan3A_628 = arith.constant 1 : i32
    scf.for %scan3A_678 = %scan3A_625 to %scan3A_627 step %scan3A_628  : i32 {
      %add3A_679 = arith.constant 120 : i32
      %add3A_680 = arith.addi %add3A_679, %scan3A_678 : i32
      %dma_start3A_681 = arith.constant 0 : i32
      %dma_start3A_682 = arith.constant 0 : i32
      %dma_start3A_683 = tpu.memref_slice %arg8[%scan3A_678, %dma_start3A_681, %dma_start3A_682] : memref<8x128x16xf32, #tpu.memory_space<vmem>> -> memref<1x128x16xf32, #tpu.memory_space<vmem>>
      %dma_start3A_684 = tpu.memref_squeeze %dma_start3A_683 : memref<1x128x16xf32, #tpu.memory_space<vmem>> -> memref<128x16xf32, #tpu.memory_space<vmem>>
      %dma_start3A_685 = arith.constant 0 : i32
      %dma_start3A_686 = tpu.memref_slice %arg6[%add3A_680, %dma_start3A_685] : memref<128x128xi32, #tpu.memory_space<vmem>> -> memref<1x128xi32, #tpu.memory_space<vmem>>
      %dma_start3A_687 = tpu.memref_squeeze %dma_start3A_686 : memref<1x128xi32, #tpu.memory_space<vmem>> -> memref<128xi32, #tpu.memory_space<vmem>>
      %dma_start3A_688 = arith.constant 0 : i32
      %dma_start3A_689 = arith.constant 0 : i32
      %dma_start3A_690 = tpu.memref_slice %arg2[%dma_start3A_688, %dma_start3A_689] : memref<4063232x16xf32, #tpu.memory_space<hbm>> -> memref<4063232x16xf32, #tpu.memory_space<hbm>>
      tpu.enqueue_indirect_dma source(%dma_start3A_690 : memref<4063232x16xf32, #tpu.memory_space<hbm>>) target(%dma_start3A_684 : memref<128x16xf32, #tpu.memory_space<vmem>>) offsets(%dma_start3A_687 : memref<128xi32, #tpu.memory_space<vmem>>) semaphore(%arg9 : memref<!tpu.dma_semaphore, #tpu.memory_space<semaphore_mem>>)
    }
    %scan3A_629 = arith.constant 8 : i32
    %mul3A_630 = arith.constant 32 : i32
    %mul3A_631 = arith.muli %add3A, %mul3A_630 : i32
    %add3A_632 = arith.constant 3072 : i32
    %add3A_633 = arith.addi %add3A_632, %mul3A_631 : i32
    %add3A_634 = arith.constant 24 : i32
    %add3A_635 = arith.addi %add3A_633, %add3A_634 : i32
    %dma_wait3A_636 = arith.constant 0 : i32
    %dma_wait3A_637 = arith.constant 0 : i32
    %dma_wait3A_638 = tpu.memref_slice %arg4[%add3A_635, %dma_wait3A_636, %dma_wait3A_637] : memref<4096x128x16xf32, #tpu.memory_space<hbm>> -> memref<8x128x16xf32, #tpu.memory_space<hbm>>
    %dma_wait3A_639 = arith.constant 0 : i32
    %dma_wait3A_640 = arith.constant 0 : i32
    %dma_wait3A_641 = tpu.memref_slice %arg4[%add3A_635, %dma_wait3A_639, %dma_wait3A_640] : memref<4096x128x16xf32, #tpu.memory_space<hbm>> -> memref<8x128x16xf32, #tpu.memory_space<hbm>>
    tpu.wait_dma2 semaphore(%arg9 : memref<!tpu.dma_semaphore, #tpu.memory_space<semaphore_mem>>) src(%dma_wait3A_641 : memref<8x128x16xf32, #tpu.memory_space<hbm>>) dst(%arg8 : memref<8x128x16xf32, #tpu.memory_space<vmem>>)
    %mul3A_642 = arith.constant 32 : i32
    %mul3A_643 = arith.muli %add3A, %mul3A_642 : i32
    %add3A_644 = arith.constant 3072 : i32
    %add3A_645 = arith.addi %add3A_644, %mul3A_643 : i32
    %add3A_646 = arith.constant 24 : i32
    %add3A_647 = arith.addi %add3A_645, %add3A_646 : i32
    %dma_start3A_648 = arith.constant 0 : i32
    %dma_start3A_649 = arith.constant 0 : i32
    %dma_start3A_650 = tpu.memref_slice %arg4[%add3A_647, %dma_start3A_648, %dma_start3A_649] : memref<4096x128x16xf32, #tpu.memory_space<hbm>> -> memref<8x128x16xf32, #tpu.memory_space<hbm>>
    %dma_start3A_651 = arith.constant 0 : i32
    %dma_start3A_652 = arith.constant 0 : i32
    %dma_start3A_653 = tpu.memref_slice %arg4[%add3A_647, %dma_start3A_651, %dma_start3A_652] : memref<4096x128x16xf32, #tpu.memory_space<hbm>> -> memref<8x128x16xf32, #tpu.memory_space<hbm>>
    tpu.enqueue_dma source(%arg8 : memref<8x128x16xf32, #tpu.memory_space<vmem>>) target(%dma_start3A_653 : memref<8x128x16xf32, #tpu.memory_space<hbm>>) target_semaphore(%arg10 : memref<!tpu.dma_semaphore, #tpu.memory_space<semaphore_mem>>)
    %mul3A_654 = arith.constant 32 : i32
    %mul3A_655 = arith.muli %add3A, %mul3A_654 : i32
    %add3A_656 = arith.constant 3072 : i32
    %add3A_657 = arith.addi %add3A_656, %mul3A_655 : i32
    %add3A_658 = arith.constant 16 : i32
    %add3A_659 = arith.addi %add3A_657, %add3A_658 : i32
    %dma_wait3A_660 = arith.constant 0 : i32
    %dma_wait3A_661 = arith.constant 0 : i32
    %dma_wait3A_662 = tpu.memref_slice %arg4[%add3A_659, %dma_wait3A_660, %dma_wait3A_661] : memref<4096x128x16xf32, #tpu.memory_space<hbm>> -> memref<8x128x16xf32, #tpu.memory_space<hbm>>
    %dma_wait3A_663 = arith.constant 0 : i32
    %dma_wait3A_664 = arith.constant 0 : i32
    %dma_wait3A_665 = tpu.memref_slice %arg4[%add3A_659, %dma_wait3A_663, %dma_wait3A_664] : memref<4096x128x16xf32, #tpu.memory_space<hbm>> -> memref<8x128x16xf32, #tpu.memory_space<hbm>>
    tpu.wait_dma2 semaphore(%arg10 : memref<!tpu.dma_semaphore, #tpu.memory_space<semaphore_mem>>) src(%arg7 : memref<8x128x16xf32, #tpu.memory_space<vmem>>) dst(%dma_wait3A_665 : memref<8x128x16xf32, #tpu.memory_space<hbm>>)
    %mul3A_666 = arith.constant 32 : i32
    %mul3A_667 = arith.muli %add3A, %mul3A_666 : i32
    %add3A_668 = arith.constant 3072 : i32
    %add3A_669 = arith.addi %add3A_668, %mul3A_667 : i32
    %add3A_670 = arith.constant 24 : i32
    %add3A_671 = arith.addi %add3A_669, %add3A_670 : i32
    %dma_wait3A_672 = arith.constant 0 : i32
    %dma_wait3A_673 = arith.constant 0 : i32
    %dma_wait3A_674 = tpu.memref_slice %arg4[%add3A_671, %dma_wait3A_672, %dma_wait3A_673] : memref<4096x128x16xf32, #tpu.memory_space<hbm>> -> memref<8x128x16xf32, #tpu.memory_space<hbm>>
    %dma_wait3A_675 = arith.constant 0 : i32
    %dma_wait3A_676 = arith.constant 0 : i32
    %dma_wait3A_677 = tpu.memref_slice %arg4[%add3A_671, %dma_wait3A_675, %dma_wait3A_676] : memref<4096x128x16xf32, #tpu.memory_space<hbm>> -> memref<8x128x16xf32, #tpu.memory_space<hbm>>
    tpu.wait_dma2 semaphore(%arg10 : memref<!tpu.dma_semaphore, #tpu.memory_space<semaphore_mem>>) src(%arg8 : memref<8x128x16xf32, #tpu.memory_space<vmem>>) dst(%dma_wait3A_677 : memref<8x128x16xf32, #tpu.memory_space<hbm>>)
    return
  }
}

module attributes {stable_mosaic.version = 14 : i64} {
  func.func @_tr_body(%arg0: i32, %arg1: memref<16x16384xf32, #tpu.memory_space<vmem>>, %arg2: memref<8192x128xf32, #tpu.memory_space<vmem>>) attributes {dimension_semantics = [#tpu.dimension_semantics<arbitrary>], iteration_bounds = array<i64: 62>, scalar_prefetch = 0 : i64, scratch_operands = 0 : i64, tpu.core_type = #tpu.core_type<tc>, window_params = [{transform_indices = @transform_0, window_bounds = array<i64: 16, 16384>}, {transform_indices = @transform_1, window_bounds = array<i64: 8192, 128>}]} {
    %get3A = arith.constant 0 : index
    %get3A_0 = arith.constant 0 : index
    %get3A_1 = vector.load %arg1[%get3A, %get3A_0] : memref<16x16384xf32, #tpu.memory_space<vmem>>, vector<16x16384xf32>
    %slice3A = vector.extract_strided_slice %get3A_1 {offsets = [0, 0], sizes = [16, 8192], strides = [1, 1]} : vector<16x16384xf32> to vector<16x8192xf32>
    %transpose3A = tpu.transpose %slice3A, [1, 0] : vector<16x8192xf32> -> vector<8192x16xf32>
    %slice3A_2 = vector.extract_strided_slice %get3A_1 {offsets = [0, 8192], sizes = [16, 8192], strides = [1, 1]} : vector<16x16384xf32> to vector<16x8192xf32>
    %transpose3A_3 = tpu.transpose %slice3A_2, [1, 0] : vector<16x8192xf32> -> vector<8192x16xf32>
    %concatenate3A = tpu.concatenate %transpose3A, %transpose3A_3 in 1 : vector<8192x16xf32>, vector<8192x16xf32> -> vector<8192x32xf32>
    %jit3A = arith.constant 0 : i32
    %convert_element_type3A = arith.sitofp %jit3A : i32 to f32
    %pad3A = vector.broadcast %convert_element_type3A : f32 to vector<8192x96xf32>
    %pad3A_4 = tpu.concatenate %concatenate3A, %pad3A in 1 : vector<8192x32xf32>, vector<8192x96xf32> -> vector<8192x128xf32>
    %swap3A = arith.constant 0 : index
    %swap3A_5 = arith.constant 0 : index
    %swap3A_6 = vector.load %arg2[%swap3A, %swap3A_5] : memref<8192x128xf32, #tpu.memory_space<vmem>>, vector<8192x128xf32>
    tpu.vector_store %arg2[%swap3A, %swap3A_5], %pad3A_4 {strides = array<i32>} : memref<8192x128xf32, #tpu.memory_space<vmem>>, vector<8192x128xf32>,
    return
  }
  func.func @transform_0(%arg0: i32) -> (i32, i32) {
    %c0_i32 = arith.constant 0 : i32
    %c0_i32_0 = arith.constant 0 : i32
    return %c0_i32, %arg0 : i32, i32
  }
  func.func @transform_1(%arg0: i32) -> (i32, i32) {
    %c0_i32 = arith.constant 0 : i32
    %c0_i32_0 = arith.constant 0 : i32
    return %arg0, %c0_i32 : i32, i32
  }
}

module attributes {stable_mosaic.version = 14 : i64} {
  func.func @_mlp_body(%arg0: i32, %arg1: memref<4x2048x128xf32, #tpu.memory_space<vmem>>, %arg2: memref<2048x13xf32, #tpu.memory_space<vmem>>, %arg3: memref<512x512xf32, #tpu.memory_space<vmem>>, %arg4: memref<512x13xf32, #tpu.memory_space<vmem>>, %arg5: memref<1x512xf32, #tpu.memory_space<vmem>>, %arg6: memref<256x512xf32, #tpu.memory_space<vmem>>, %arg7: memref<1x256xf32, #tpu.memory_space<vmem>>, %arg8: memref<128x256xf32, #tpu.memory_space<vmem>>, %arg9: memref<1x128xf32, #tpu.memory_space<vmem>>, %arg10: memref<32x128xf32, #tpu.memory_space<vmem>>, %arg11: memref<1x32xf32, #tpu.memory_space<vmem>>, %arg12: memref<1x32xf32, #tpu.memory_space<vmem>>, %arg13: memref<1x13xf32, #tpu.memory_space<vmem>>, %arg14: memref<1xf32, #tpu.memory_space<smem>>, %arg15: memref<2048x1xf32, #tpu.memory_space<vmem>>) attributes {dimension_semantics = [#tpu.dimension_semantics<arbitrary>], iteration_bounds = array<i64: 8>, scalar_prefetch = 0 : i64, scratch_operands = 0 : i64, tpu.core_type = #tpu.core_type<tc>, window_params = [{transform_indices = @transform_0, window_bounds = array<i64: 4, 2048, 128>}, {transform_indices = @transform_1, window_bounds = array<i64: 2048, 13>}, {pipeline_mode = #tpu.pipeline_mode<synchronous>, transform_indices = @transform_2, window_bounds = array<i64: 512, 512>}, {pipeline_mode = #tpu.pipeline_mode<synchronous>, transform_indices = @transform_3, window_bounds = array<i64: 512, 13>}, {pipeline_mode = #tpu.pipeline_mode<synchronous>, transform_indices = @transform_4, window_bounds = array<i64: 1, 512>}, {pipeline_mode = #tpu.pipeline_mode<synchronous>, transform_indices = @transform_5, window_bounds = array<i64: 256, 512>}, {pipeline_mode = #tpu.pipeline_mode<synchronous>, transform_indices = @transform_6, window_bounds = array<i64: 1, 256>}, {pipeline_mode = #tpu.pipeline_mode<synchronous>, transform_indices = @transform_7, window_bounds = array<i64: 128, 256>}, {pipeline_mode = #tpu.pipeline_mode<synchronous>, transform_indices = @transform_8, window_bounds = array<i64: 1, 128>}, {pipeline_mode = #tpu.pipeline_mode<synchronous>, transform_indices = @transform_9, window_bounds = array<i64: 32, 128>}, {pipeline_mode = #tpu.pipeline_mode<synchronous>, transform_indices = @transform_10, window_bounds = array<i64: 1, 32>}, {pipeline_mode = #tpu.pipeline_mode<synchronous>, transform_indices = @transform_11, window_bounds = array<i64: 1, 32>}, {pipeline_mode = #tpu.pipeline_mode<synchronous>, transform_indices = @transform_12, window_bounds = array<i64: 1, 13>}, {transform_indices = @transform_13, window_bounds = array<i64: 1>}, {transform_indices = @transform_14, window_bounds = array<i64: 2048, 1>}]} {
    %get3A = arith.constant 0 : index
    %get3A_0 = arith.constant 0 : index
    %get3A_1 = arith.constant 0 : index
    %get3A_2 = vector.load %arg1[%get3A, %get3A_0, %get3A_1] : memref<4x2048x128xf32, #tpu.memory_space<vmem>>, vector<4x2048x128xf32>
    %get3A_3 = arith.constant 0 : index
    %get3A_4 = arith.constant 0 : index
    %get3A_5 = vector.load %arg2[%get3A_3, %get3A_4] : memref<2048x13xf32, #tpu.memory_space<vmem>>, vector<2048x13xf32>
    %get3A_6 = arith.constant 0 : index
    %get3A_7 = arith.constant 0 : index
    %get3A_8 = vector.load %arg3[%get3A_6, %get3A_7] : memref<512x512xf32, #tpu.memory_space<vmem>>, vector<512x512xf32>
    %slice3A = vector.extract_strided_slice %get3A_2 {offsets = [0, 0, 0], sizes = [1, 2048, 128], strides = [1, 1, 1]} : vector<4x2048x128xf32> to vector<1x2048x128xf32>
    %squeeze3A = vector.shape_cast %slice3A : vector<1x2048x128xf32> to vector<2048x128xf32>
    %slice3A_9 = vector.extract_strided_slice %get3A_8 {offsets = [0, 0], sizes = [512, 128], strides = [1, 1]} : vector<512x512xf32> to vector<512x128xf32>
    %dot_general3A = arith.constant dense<0.000000e+00> : vector<2048x512xf32>
    %dot_general3A_10 = tpu.matmul %squeeze3A, %slice3A_9, %dot_general3A {dimension_numbers = #tpu.dot_dimension_numbers<[1], [1], [0], [0], [0, 0, 1, 0], [], []>, transpose_lhs_hint = false} : vector<2048x128xf32>, vector<512x128xf32>, vector<2048x512xf32> -> vector<2048x512xf32>
    %slice3A_11 = vector.extract_strided_slice %get3A_2 {offsets = [1, 0, 0], sizes = [1, 2048, 128], strides = [1, 1, 1]} : vector<4x2048x128xf32> to vector<1x2048x128xf32>
    %squeeze3A_12 = vector.shape_cast %slice3A_11 : vector<1x2048x128xf32> to vector<2048x128xf32>
    %slice3A_13 = vector.extract_strided_slice %get3A_8 {offsets = [0, 128], sizes = [512, 128], strides = [1, 1]} : vector<512x512xf32> to vector<512x128xf32>
    %dot_general3A_14 = arith.constant dense<0.000000e+00> : vector<2048x512xf32>
    %dot_general3A_15 = tpu.matmul %squeeze3A_12, %slice3A_13, %dot_general3A_14 {dimension_numbers = #tpu.dot_dimension_numbers<[1], [1], [0], [0], [0, 0, 1, 0], [], []>, transpose_lhs_hint = false} : vector<2048x128xf32>, vector<512x128xf32>, vector<2048x512xf32> -> vector<2048x512xf32>
    %add3A = arith.addf %dot_general3A_10, %dot_general3A_15 : vector<2048x512xf32>
    %slice3A_16 = vector.extract_strided_slice %get3A_2 {offsets = [2, 0, 0], sizes = [1, 2048, 128], strides = [1, 1, 1]} : vector<4x2048x128xf32> to vector<1x2048x128xf32>
    %squeeze3A_17 = vector.shape_cast %slice3A_16 : vector<1x2048x128xf32> to vector<2048x128xf32>
    %slice3A_18 = vector.extract_strided_slice %get3A_8 {offsets = [0, 256], sizes = [512, 128], strides = [1, 1]} : vector<512x512xf32> to vector<512x128xf32>
    %dot_general3A_19 = arith.constant dense<0.000000e+00> : vector<2048x512xf32>
    %dot_general3A_20 = tpu.matmul %squeeze3A_17, %slice3A_18, %dot_general3A_19 {dimension_numbers = #tpu.dot_dimension_numbers<[1], [1], [0], [0], [0, 0, 1, 0], [], []>, transpose_lhs_hint = false} : vector<2048x128xf32>, vector<512x128xf32>, vector<2048x512xf32> -> vector<2048x512xf32>
    %add3A_21 = arith.addf %add3A, %dot_general3A_20 : vector<2048x512xf32>
    %slice3A_22 = vector.extract_strided_slice %get3A_2 {offsets = [3, 0, 0], sizes = [1, 2048, 128], strides = [1, 1, 1]} : vector<4x2048x128xf32> to vector<1x2048x128xf32>
    %squeeze3A_23 = vector.shape_cast %slice3A_22 : vector<1x2048x128xf32> to vector<2048x128xf32>
    %slice3A_24 = vector.extract_strided_slice %get3A_8 {offsets = [0, 384], sizes = [512, 128], strides = [1, 1]} : vector<512x512xf32> to vector<512x128xf32>
    %dot_general3A_25 = arith.constant dense<0.000000e+00> : vector<2048x512xf32>
    %dot_general3A_26 = tpu.matmul %squeeze3A_23, %slice3A_24, %dot_general3A_25 {dimension_numbers = #tpu.dot_dimension_numbers<[1], [1], [0], [0], [0, 0, 1, 0], [], []>, transpose_lhs_hint = false} : vector<2048x128xf32>, vector<512x128xf32>, vector<2048x512xf32> -> vector<2048x512xf32>
    %add3A_27 = arith.addf %add3A_21, %dot_general3A_26 : vector<2048x512xf32>
    %get3A_28 = arith.constant 0 : index
    %get3A_29 = arith.constant 0 : index
    %get3A_30 = vector.load %arg4[%get3A_28, %get3A_29] : memref<512x13xf32, #tpu.memory_space<vmem>>, vector<512x13xf32>
    %dot_general3A_31 = arith.constant dense<0.000000e+00> : vector<2048x512xf32>
    %dot_general3A_32 = tpu.matmul %get3A_5, %get3A_30, %dot_general3A_31 {dimension_numbers = #tpu.dot_dimension_numbers<[1], [1], [0], [0], [0, 0, 1, 0], [], []>, transpose_lhs_hint = false} : vector<2048x13xf32>, vector<512x13xf32>, vector<2048x512xf32> -> vector<2048x512xf32>
    %add3A_33 = arith.addf %add3A_27, %dot_general3A_32 : vector<2048x512xf32>
    %get3A_34 = arith.constant 0 : index
    %get3A_35 = arith.constant 0 : index
    %get3A_36 = vector.load %arg5[%get3A_34, %get3A_35] : memref<1x512xf32, #tpu.memory_space<vmem>>, vector<1x512xf32>
    %add3A_37 = vector.broadcast %get3A_36 : vector<1x512xf32> to vector<2048x512xf32>
    %add3A_38 = arith.addf %add3A_33, %add3A_37 : vector<2048x512xf32>
    %max3A = arith.constant 0.000000e+00 : f32
    %max3A_39 = vector.broadcast %max3A : f32 to vector<2048x512xf32>
    %max3A_40 = arith.maximumf %add3A_38, %max3A_39 : vector<2048x512xf32>
    %get3A_41 = arith.constant 0 : index
    %get3A_42 = arith.constant 0 : index
    %get3A_43 = vector.load %arg6[%get3A_41, %get3A_42] : memref<256x512xf32, #tpu.memory_space<vmem>>, vector<256x512xf32>
    %dot_general3A_44 = arith.constant dense<0.000000e+00> : vector<2048x256xf32>
    %dot_general3A_45 = tpu.matmul %max3A_40, %get3A_43, %dot_general3A_44 {dimension_numbers = #tpu.dot_dimension_numbers<[1], [1], [0], [0], [0, 0, 1, 0], [], []>, transpose_lhs_hint = false} : vector<2048x512xf32>, vector<256x512xf32>, vector<2048x256xf32> -> vector<2048x256xf32>
    %get3A_46 = arith.constant 0 : index
    %get3A_47 = arith.constant 0 : index
    %get3A_48 = vector.load %arg7[%get3A_46, %get3A_47] : memref<1x256xf32, #tpu.memory_space<vmem>>, vector<1x256xf32>
    %add3A_49 = vector.broadcast %get3A_48 : vector<1x256xf32> to vector<2048x256xf32>
    %add3A_50 = arith.addf %dot_general3A_45, %add3A_49 : vector<2048x256xf32>
    %max3A_51 = arith.constant 0.000000e+00 : f32
    %max3A_52 = vector.broadcast %max3A_51 : f32 to vector<2048x256xf32>
    %max3A_53 = arith.maximumf %add3A_50, %max3A_52 : vector<2048x256xf32>
    %get3A_54 = arith.constant 0 : index
    %get3A_55 = arith.constant 0 : index
    %get3A_56 = vector.load %arg8[%get3A_54, %get3A_55] : memref<128x256xf32, #tpu.memory_space<vmem>>, vector<128x256xf32>
    %dot_general3A_57 = arith.constant dense<0.000000e+00> : vector<2048x128xf32>
    %dot_general3A_58 = tpu.matmul %max3A_53, %get3A_56, %dot_general3A_57 {dimension_numbers = #tpu.dot_dimension_numbers<[1], [1], [0], [0], [0, 0, 1, 0], [], []>, transpose_lhs_hint = false} : vector<2048x256xf32>, vector<128x256xf32>, vector<2048x128xf32> -> vector<2048x128xf32>
    %get3A_59 = arith.constant 0 : index
    %get3A_60 = arith.constant 0 : index
    %get3A_61 = vector.load %arg9[%get3A_59, %get3A_60] : memref<1x128xf32, #tpu.memory_space<vmem>>, vector<1x128xf32>
    %add3A_62 = vector.broadcast %get3A_61 : vector<1x128xf32> to vector<2048x128xf32>
    %add3A_63 = arith.addf %dot_general3A_58, %add3A_62 : vector<2048x128xf32>
    %max3A_64 = arith.constant 0.000000e+00 : f32
    %max3A_65 = vector.broadcast %max3A_64 : f32 to vector<2048x128xf32>
    %max3A_66 = arith.maximumf %add3A_63, %max3A_65 : vector<2048x128xf32>
    %get3A_67 = arith.constant 0 : index
    %get3A_68 = arith.constant 0 : index
    %get3A_69 = vector.load %arg10[%get3A_67, %get3A_68] : memref<32x128xf32, #tpu.memory_space<vmem>>, vector<32x128xf32>
    %dot_general3A_70 = arith.constant dense<0.000000e+00> : vector<2048x32xf32>
    %dot_general3A_71 = tpu.matmul %max3A_66, %get3A_69, %dot_general3A_70 {dimension_numbers = #tpu.dot_dimension_numbers<[1], [1], [0], [0], [0, 0, 1, 0], [], []>, transpose_lhs_hint = false} : vector<2048x128xf32>, vector<32x128xf32>, vector<2048x32xf32> -> vector<2048x32xf32>
    %get3A_72 = arith.constant 0 : index
    %get3A_73 = arith.constant 0 : index
    %get3A_74 = vector.load %arg11[%get3A_72, %get3A_73] : memref<1x32xf32, #tpu.memory_space<vmem>>, vector<1x32xf32>
    %add3A_75 = vector.broadcast %get3A_74 : vector<1x32xf32> to vector<2048x32xf32>
    %add3A_76 = arith.addf %dot_general3A_71, %add3A_75 : vector<2048x32xf32>
    %max3A_77 = arith.constant 0.000000e+00 : f32
    %max3A_78 = vector.broadcast %max3A_77 : f32 to vector<2048x32xf32>
    %max3A_79 = arith.maximumf %add3A_76, %max3A_78 : vector<2048x32xf32>
    %get3A_80 = arith.constant 0 : index
    %get3A_81 = arith.constant 0 : index
    %get3A_82 = vector.load %arg12[%get3A_80, %get3A_81] : memref<1x32xf32, #tpu.memory_space<vmem>>, vector<1x32xf32>
    %dot_general3A_83 = arith.constant dense<0.000000e+00> : vector<2048x1xf32>
    %dot_general3A_84 = tpu.matmul %max3A_79, %get3A_82, %dot_general3A_83 {dimension_numbers = #tpu.dot_dimension_numbers<[1], [1], [0], [0], [0, 0, 1, 0], [], []>, transpose_lhs_hint = false} : vector<2048x32xf32>, vector<1x32xf32>, vector<2048x1xf32> -> vector<2048x1xf32>
    %get3A_85 = arith.constant 0 : index
    %get3A_86 = arith.constant 0 : index
    %get3A_87 = vector.load %arg13[%get3A_85, %get3A_86] : memref<1x13xf32, #tpu.memory_space<vmem>>, vector<1x13xf32>
    %dot_general3A_88 = arith.constant dense<0.000000e+00> : vector<2048x1xf32>
    %dot_general3A_89 = tpu.matmul %get3A_5, %get3A_87, %dot_general3A_88 {dimension_numbers = #tpu.dot_dimension_numbers<[1], [1], [0], [0], [0, 0, 1, 0], [], []>, transpose_lhs_hint = false} : vector<2048x13xf32>, vector<1x13xf32>, vector<2048x1xf32> -> vector<2048x1xf32>
    %add3A_90 = arith.addf %dot_general3A_84, %dot_general3A_89 : vector<2048x1xf32>
    %get3A_91 = arith.constant 0 : index
    %get3A_92 = memref.load %arg14[%get3A_91] : memref<1xf32, #tpu.memory_space<smem>>
    %add3A_93 = vector.broadcast %get3A_92 : f32 to vector<2048x1xf32>
    %add3A_94 = arith.addf %add3A_90, %add3A_93 : vector<2048x1xf32>
    %swap3A = arith.constant 0 : index
    %swap3A_95 = arith.constant 0 : index
    %swap3A_96 = vector.load %arg15[%swap3A, %swap3A_95] : memref<2048x1xf32, #tpu.memory_space<vmem>>, vector<2048x1xf32>
    tpu.vector_store %arg15[%swap3A, %swap3A_95], %add3A_94 {strides = array<i32>} : memref<2048x1xf32, #tpu.memory_space<vmem>>, vector<2048x1xf32>,
    return
  }
  func.func @transform_0(%arg0: i32) -> (i32, i32, i32) {
    %c0_i32 = arith.constant 0 : i32
    %c0_i32_0 = arith.constant 0 : i32
    %c0_i32_1 = arith.constant 0 : i32
    return %c0_i32, %arg0, %c0_i32_0 : i32, i32, i32
  }
  func.func @transform_1(%arg0: i32) -> (i32, i32) {
    %c0_i32 = arith.constant 0 : i32
    %c0_i32_0 = arith.constant 0 : i32
    return %arg0, %c0_i32 : i32, i32
  }
  func.func @transform_2(%arg0: i32) -> (i32, i32) {
    %c0_i32 = arith.constant 0 : i32
    %c0_i32_0 = arith.constant 0 : i32
    %c0_i32_1 = arith.constant 0 : i32
    return %c0_i32, %c0_i32_0 : i32, i32
  }
  func.func @transform_3(%arg0: i32) -> (i32, i32) {
    %c0_i32 = arith.constant 0 : i32
    %c0_i32_0 = arith.constant 0 : i32
    %c0_i32_1 = arith.constant 0 : i32
    return %c0_i32, %c0_i32_0 : i32, i32
  }
  func.func @transform_4(%arg0: i32) -> (i32, i32) {
    %c0_i32 = arith.constant 0 : i32
    %c0_i32_0 = arith.constant 0 : i32
    %c0_i32_1 = arith.constant 0 : i32
    return %c0_i32, %c0_i32_0 : i32, i32
  }
  func.func @transform_5(%arg0: i32) -> (i32, i32) {
    %c0_i32 = arith.constant 0 : i32
    %c0_i32_0 = arith.constant 0 : i32
    %c0_i32_1 = arith.constant 0 : i32
    return %c0_i32, %c0_i32_0 : i32, i32
  }
  func.func @transform_6(%arg0: i32) -> (i32, i32) {
    %c0_i32 = arith.constant 0 : i32
    %c0_i32_0 = arith.constant 0 : i32
    %c0_i32_1 = arith.constant 0 : i32
    return %c0_i32, %c0_i32_0 : i32, i32
  }
  func.func @transform_7(%arg0: i32) -> (i32, i32) {
    %c0_i32 = arith.constant 0 : i32
    %c0_i32_0 = arith.constant 0 : i32
    %c0_i32_1 = arith.constant 0 : i32
    return %c0_i32, %c0_i32_0 : i32, i32
  }
  func.func @transform_8(%arg0: i32) -> (i32, i32) {
    %c0_i32 = arith.constant 0 : i32
    %c0_i32_0 = arith.constant 0 : i32
    %c0_i32_1 = arith.constant 0 : i32
    return %c0_i32, %c0_i32_0 : i32, i32
  }
  func.func @transform_9(%arg0: i32) -> (i32, i32) {
    %c0_i32 = arith.constant 0 : i32
    %c0_i32_0 = arith.constant 0 : i32
    %c0_i32_1 = arith.constant 0 : i32
    return %c0_i32, %c0_i32_0 : i32, i32
  }
  func.func @transform_10(%arg0: i32) -> (i32, i32) {
    %c0_i32 = arith.constant 0 : i32
    %c0_i32_0 = arith.constant 0 : i32
    %c0_i32_1 = arith.constant 0 : i32
    return %c0_i32, %c0_i32_0 : i32, i32
  }
  func.func @transform_11(%arg0: i32) -> (i32, i32) {
    %c0_i32 = arith.constant 0 : i32
    %c0_i32_0 = arith.constant 0 : i32
    %c0_i32_1 = arith.constant 0 : i32
    return %c0_i32, %c0_i32_0 : i32, i32
  }
  func.func @transform_12(%arg0: i32) -> (i32, i32) {
    %c0_i32 = arith.constant 0 : i32
    %c0_i32_0 = arith.constant 0 : i32
    %c0_i32_1 = arith.constant 0 : i32
    return %c0_i32, %c0_i32_0 : i32, i32
  }
  func.func @transform_13(%arg0: i32) -> i32 {
    %c0_i32 = arith.constant 0 : i32
    %c0_i32_0 = arith.constant 0 : i32
    return %c0_i32 : i32
  }
  func.func @transform_14(%arg0: i32) -> (i32, i32) {
    %c0_i32 = arith.constant 0 : i32
    %c0_i32_0 = arith.constant 0 : i32
    return %arg0, %c0_i32 : i32, i32
  }
}

</mosaic_0001>

<sc_bundles>
// kernel: kernel.5.cloned.1.call-start
scs
__scs_entry_jumppad:
0x0: {  	(pc) =	sbr.rel $0x88, $3  }
0x1: {  	(tag) =	ssettag $0x0;
	lr =	simm.s32 $0x1  }
0x2: {  	[smem:$0x3F92] =	sst lr;
	_ =	strace $0xD0000000  }
0x3: {  	_ = 	snop  }
0x4: {  	_ = 	snop  }
0x5: {  	_ = 	snop  }
0x6: {  	_ = 	snop  }
0x7: {  	_ = 	snop  }
__scs_overlays_trampoline_lowered:
0x8: {  	[smem:$0x3FA1] =	sst s0  }
0x9: {  	[smem:$0x3FA2] =	sst s1  }
0xa: {  	[smem:$0x3FA3] =	sst s2  }
0xb: {  	[smem:$0x3FA4] =	sst s3  }
0xc: {  	[smem:$0x3FA5] =	sst s4  }
0xd: {  	[smem:$0x3FA6] =	sst s5  }
0xe: {  	[smem:$0x3FA7] =	sst s6  }
0xf: {  	[smem:$0x3FA8] =	sst s7  }
0x10: {  	[smem:$0x3FA9] =	sst s8  }
0x11: {  	[smem:$0x3FAA] =	sst s9;
	s0 =	simm.s32 @!p0 $0x0  }
0x12: {  	s1 =	sld [smem:$0x3F90];
	s0 =	simm.s32 @p0 $0x1  }
0x13: {  	[smem:$0x3FAB] =	sst s0;
	s0 =	simm.s32 @!p1 $0x0  }
0x14: {  	s2 =	sld [smem:$0x3F8F];
	s0 =	simm.s32 @p1 $0x1  }
0x15: {  	[smem:$0x3FAC] =	sst s0;
	s0 =	simm.s32 @!p2 $0x0  }
0x16: {  	s3 =	sld [smem:$0x3FDB];
	s0 =	simm.s32 @p2 $0x1  }
0x17: {  	s4 =	simm.s32 $0x1BF5;
	[smem:$0x3FAE] =	sst s0  }
0x18: {  	s0 =	sld [smem:$0x3F91];
	_ =	swait.ge [sflag:s4], $0x0  }
0x19: {  	s7 =	sld [smem:$0x3F92]  }
0x1a: {  	s8 =	sadd.s32 $0xFFFFE003, lr  }
0x1b: {  	s9 =	sadd.s32 $0xFFFFFEF7, lr;
	s5 =	simm.s32 $0xFFFFFFFF;
	p2 =	slt.u32 s8, $0xFFFFF086  }
0x1c: {  	p1 =	slt.u32 s9, $0xF7A;
	s5 =	simm.s32 @!p2 $0x0  }
0x1d: {  	s5 =	simm.s32 @p1 $0x1;
	p0 =	seq.s32 s7, s2  }
0x1e: {  	s7 =	smul.u32 @!p0 $0xF7A, s2;
	p2 =	seq.s32 @!p0 s5, $0x0  }
0x1f: {  	s9 =	smul.u32 $0xF7A, s1;
	s8 =	simm.s32 @!p0 $0x1BF5;
	p2 =	por !p2, p0  }
0x20: {  	[sflag:s8] =	ssyncset.s32 @!p0 $0xFFFFF086;
	s6 =	sadd.s32 @!p0 s3, s7;
	s7 =	simm.s32 @!p0 $0x108  }
0x21: {  	s3 =	sadd.s32 s3, s9;
	s6 =	sadd.s32 @!p0 $0x88, s6;
	s7 =	simm.s32 @p2 $0x1082  }
0x22: {  	[simem:s7], [sflag:s8] =	dma.local @!p0 [hbm:s6], $0xF7A  }
0x23: {  	s9 =	sor.u32 $0xD0000000, s2;
	s6 =	simm.s32 $0x108;
	_ =	swait.ge @!p0 [sflag:s8], $0x0  }
0x24: {  	s3 =	sadd.s32 $0x88, s3;
	s6 =	simm.s32 @!p1 $0x1082;
	[sflag:s4] =	ssyncset.s32 $0xFFFFF086  }
0x25: {  	[simem:s6], [sflag:s4] =	dma.local [hbm:s3], $0xF7A  }
0x26: {  	[smem:$0x3F92] =	sst s1;
	(tag) =	ssettag s2;
	_ =	strace s9  }
0x27: {  	s1 =	sld [smem:$0x3FA2]  }
0x28: {  	s2 =	sld [smem:$0x3FA3]  }
0x29: {  	s4 =	sld [smem:$0x3FA5]  }
0x2a: {  	p0 =	seq.s32 s5, $0x0;
	s5 =	sld [smem:$0x3FA6]  }
0x2b: {  	s6 =	sld [smem:$0x3FA7]  }
0x2c: {  	s7 =	sld [smem:$0x3FA8]  }
0x2d: {  	s3 =	simm.s32 $0x108;
	s8 =	sld [smem:$0x3FA9]  }
0x2e: {  	s3 =	simm.s32 @!p0 $0x1082;
	s9 =	sld [smem:$0x3FAA]  }
0x2f: {  	lr =	sadd.s32 s0, s3;
	s0 =	sld [smem:$0x3FA1]  }
0x30: {  	s3 =	sld [smem:$0x3FA4]  }
0x31: {  	[smem:$0x3FAD] =	sst s10  }
0x32: {  	s10 =	sld [smem:$0x3FAB];
	_ =	sdelay $0x3  }
0x33: {  	p0 =	seq.s32 s10, $0x1;
	s10 =	sld [smem:$0x3FAD];
	_ =	sdelay $0x3  }
0x34: {  	[smem:$0x3FAD] =	sst s10  }
0x35: {  	s10 =	sld [smem:$0x3FAC];
	_ =	sdelay $0x3  }
0x36: {  	p1 =	seq.s32 s10, $0x1;
	s10 =	sld [smem:$0x3FAD];
	_ =	sdelay $0x3  }
0x37: {  	[smem:$0x3FAD] =	sst s10  }
0x38: {  	s10 =	sld [smem:$0x3FAE]  }
0x39: {  	_ = 	snop;
	(pc) =	sbr.ind lr, $3  }
0x3a: {  	_ = 	snop  }
0x3b: {  	_ = 	snop  }
0x3c: {  	p2 =	seq.s32 s10, $0x1;
	s10 =	sld [smem:$0x3FAD]  }
0x3d: {  	_ =	shalt  }
0x3e: {  	_ =	shalt  }
0x3f: {  	_ =	shalt  }
0x40: {  	_ =	shalt  }
0x41: {  	_ =	shalt  }
0x42: {  	_ =	shalt  }
0x43: {  	_ =	shalt  }
0x44: {  	_ =	shalt  }
0x45: {  	_ =	shalt  }
0x46: {  	_ =	shalt  }
0x47: {  	_ =	shalt  }
0x48: {  	_ =	shalt  }
0x49: {  	_ =	shalt  }
0x4a: {  	_ =	shalt  }
0x4b: {  	_ =	shalt  }
0x4c: {  	_ =	shalt  }
0x4d: {  	_ =	shalt  }
0x4e: {  	_ =	shalt  }
0x4f: {  	_ =	shalt  }
0x50: {  	_ =	shalt  }
0x51: {  	_ =	shalt  }
0x52: {  	_ =	shalt  }
0x53: {  	_ =	shalt  }
0x54: {  	_ =	shalt  }
0x55: {  	_ =	shalt  }
0x56: {  	_ =	shalt  }
0x57: {  	_ =	shalt  }
0x58: {  	_ =	shalt  }
0x59: {  	_ =	shalt  }
0x5a: {  	_ =	shalt  }
0x5b: {  	_ =	shalt  }
0x5c: {  	_ =	shalt  }
0x5d: {  	_ =	shalt  }
0x5e: {  	_ =	shalt  }
0x5f: {  	_ =	shalt  }
0x60: {  	_ =	shalt  }
0x61: {  	_ =	shalt  }
0x62: {  	_ =	shalt  }
0x63: {  	_ =	shalt  }
0x64: {  	_ =	shalt  }
0x65: {  	_ =	shalt  }
0x66: {  	_ =	shalt  }
0x67: {  	_ =	shalt  }
0x68: {  	_ =	shalt  }
0x69: {  	_ =	shalt  }
0x6a: {  	_ =	shalt  }
0x6b: {  	_ =	shalt  }
0x6c: {  	_ =	shalt  }
0x6d: {  	_ =	shalt  }
0x6e: {  	_ =	shalt  }
0x6f: {  	_ =	shalt  }
0x70: {  	_ =	shalt  }
0x71: {  	_ =	shalt  }
0x72: {  	_ =	shalt  }
0x73: {  	_ =	shalt  }
0x74: {  	_ =	shalt  }
0x75: {  	_ =	shalt  }
0x76: {  	_ =	shalt  }
0x77: {  	_ =	shalt  }
0x78: {  	_ =	shalt  }
0x79: {  	_ =	shalt  }
0x7a: {  	_ =	shalt  }
0x7b: {  	_ =	shalt  }
0x7c: {  	_ =	shalt  }
0x7d: {  	_ =	shalt  }
0x7e: {  	_ =	shalt  }
0x7f: {  	_ =	shalt  }
0x80: {  	_ =	shalt  }
0x81: {  	_ =	shalt  }
0x82: {  	_ =	shalt  }
0x83: {  	_ =	shalt  }
0x84: {  	_ =	shalt  }
0x85: {  	_ =	shalt  }
0x86: {  	_ =	shalt  }
0x87: {  	_ =	shalt  }
.Lfunc_end0:
.L_simem_size_0:
called_computation_lowered:
.L_overlay_start_0:
0x88: {  	s2 =	sld [smem:$0x3FD9]  }
0x89: {  	s3 =	sld [smem:$0x3FFE];
	_ =	sdelay $0x1  }
0x8a: {  	s1 =	srdreg.scid  }
0x8b: {  	s0 =	sand.u32 $0x1, s1  }
0x8c: {  	s16 =	sshll.u32 s0, $0xA;
	s2 =	sadd.s32 s3, s2  }
0x8d: {  	s2 =	sadd.s32 s2, s16  }
0x8e: {  	[smem:$0x3FB9] =	sst s2  }
0x8f: {  	_ = 	snop  }
0x90: {  	(tm) =	ssettm $0x1  }
0x91: {  	s17 =	sld [smem:$0x3FFB];
	_ =	sdelay $0x3  }
0x92: {  	_ =	strace s17  }
0x93: {  	s2 =	sld [smem:$0x3FFC];
	_ =	sdelay $0x3  }
0x94: {  	_ =	strace s2  }
0x95: {  	s2 =	sld [smem:$0x3FFD];
	_ =	sdelay $0x3  }
0x96: {  	_ =	strace s2  }
0x97: {  	_ =	strace $0x8FFFFFFF  }
0x98: {  	s18 =	sld [smem:$0x3FDB];
	_ =	sdelay $0x1  }
0x99: {  	s19 =	simm.s32 $_scs_section_size  }
0x9a: {  	s4 =	simm.s32 $_size__tile_overlayer_lowered;
	s5 =	simm.s32 $_tile_overlayer_lowered  }
0x9b: {  	s22 =	simm.s32 $0x1BFF;
	s21 =	sshll.u32 s5, $0x1;
	s2 =	sadd.s32 s19, s18  }
0x9c: {  	s6 =	simm.s32 $0x0;
	s20 =	sshll.u32 s4, $0x1;
	s4 =	sadd.s32 s21, s2  }
0x9d: {  	[timem:s6], [sflag:s22] =	dma.local [hbm:s4], s20  }
0x9e: {  	_ =	swait.ge [sflag:s22], s20  }
0x9f: {  	s3 =	ssub.s32 $0x0, s20;
	[sflag:s22] =	ssyncset.done $0x0  }
0xa0: {  	[sflag:s22] =	ssyncadd.s32 s3;
	_ =	sdelay $0x1  }
0xa1: {  	s23 =	simm.s32 $0x1B8B  }
0xa2: {  	_ =	swait.ge [sflag:s23], $0x1  }
0xa3: {  	[sflag:s23] =	ssyncset.done $0x0  }
0xa4: {  	s25 =	simm.s32 $0x1B8E;
	s24 =	sld [smem:$0x3FFE];
	[sflag:s23] =	ssyncadd.s32 $0xFFFFFFFF  }
0xa5: {  	s26 =	simm.s32 $execute0_lowered;
	[smem:$0x3FD2] =	sst s25  }
0xa6: {  	s4 =	sshll.u32 s26, $0x1;
	_ =	strace $0x80000046;
	[dreg:$0x1] =	wrdreg $0xFFFFFFFF  }
0xa7: {  	s28 =	simm.s32 $_size_execute0_lowered;
	s2 =	sadd.s32 s2, s4;
	[dreg:$0x0] =	wrdreg $0x0  }
0xa8: {  	s4 =	sshll.u32 s28, $0x1;
	[dreg:$0x2] =	wrdreg s2  }
0xa9: {  	[dreg:$0x3] =	wrdreg s4  }
0xaa: {  	[dreg:$0x4] =	wrdreg $0xC0  }
0xab: {  	_ =	task [dreg:s6], $0x5FFFF  }
0xac: {  	[dreg:$0x1] =	wrdreg $0xFFFFFFFF  }
0xad: {  	[dreg:$0x0] =	wrdreg $0x60  }
0xae: {  	[dreg:$0x2] =	wrdreg s24  }
0xaf: {  	[dreg:$0x3] =	wrdreg $0x9  }
0xb0: {  	_ =	task.clear_ibuf [dreg:s6], $0x4FFFF;
	_ =	strace $0x90000046  }
0xb1: {  	s29 =	simm.s32 $0x9;
	_ =	strace $0x80000048  }
0xb2: {  	_ =	swait.ge [sflag:s29], $0x1  }
0xb3: {  	[sflag:s29] =	ssyncadd.s32 $0xFFFFFFFF  }
0xb4: {  	_ =	strace $0x90000048  }
0xb5: {  	_ =	sfence  }
0xb6: {  	s30 =	sld [smem:$0x0];
	_ =	sdelay $0x2  }
0xb7: {  	s31 =	sshll.u32 s1, $0xD;
	s1 =	sshrl.u32 s1, $0x2  }
0xb8: {  	s3 =	sand.u32 $0x4000, s31;
	s1 =	sadd.s32 s1, s30  }
0xb9: {  	s0 =	sor.u32 s3, s0;
	s1 =	sshll.u32 s1, $0x11  }
0xba: {  	s0 =	sor.u32 s1, s0  }
0xbb: {  	s0 =	sadd.s32 $0x8F2B, s0  }
0xbc: {  	[sflag:s0] =	ssyncadd.remote.s32 $0x1  }
0xbd: {  	_ =	sfence.sel $0xFFFF  }
0xbe: {  	[dreg:$0x0] =	wrdreg $0xFFFFFFFF;
	(pc) =	sbr.abs _section_cstart, $3  }
0xbf: {  	[dreg:$0x1] =	wrdreg $0xFFFFFFFF  }
0xc0: {  	_ =	task.clear_ibuf [dreg:s6], $0x2FFFF;
	_ =	strace $0x9FFFFFFF  }
0xc1: {  	(tm) =	ssettm $0x7FFFFFFF  }
tec
execute0_lowered:
.L_overlay_start_1:
0x0: {  	(tag) =	ssettag $0x1  }
0x1: {  	s0 =	srdreg.scid;
	s2 =	stileid.u32  }
0x2: {  	s0 =	sand.u32 $0x1, s0;
	s3 =	sshll.u32 s2, $0x1  }
0x3: {  	s3 =	sor.u32 s0, s3  }
0x4: {  	s1 =	rddreg [dreg:$0x0];
	s2 =	simm.s32 $0x0;
	s4 =	sshll.u32 s3, $0x6  }
0x5: {  	[smem:$0x7FF] =	sst s2;
	s5 =	sshll.u32 s3, $0xD;
	s4 =	sadd.s32 s4, s1  }
0x6: {  	s3 =	sadd.s32 $0x2200, s1;
	s1 =	sadd.s32 s5, s1;
	s4 =	sadd.s32 $0x7C2200, s4  }
0x7: {  	_ =	strace $0x80000047;
	s12 =	sadd.s32 $0x7CF200, s1;
	[dreg:$0x2] =	wrdreg s4  }
0x8: {  	s13 =	sadd.s32 $0x7CFA00, s1;
	[dreg:$0x3] =	wrdreg s12  }
0x9: {  	s14 =	sadd.s32 $0x7D0200, s1;
	[dreg:$0x4] =	wrdreg s13  }
0xa: {  	s28 =	simm.s32 $0x7400;
	s15 =	sadd.s32 $0x7D0A00, s1;
	[dreg:$0x5] =	wrdreg s14  }
0xb: {  	s30 =	simm.s32 $0x7C00;
	s16 =	sadd.s32 $0x80F200, s1;
	[dreg:$0x6] =	wrdreg s15  }
0xc: {  	s31 =	simm.s32 $0x9400;
	s17 =	sadd.s32 $0x80FA00, s1;
	[dreg:$0x7] =	wrdreg s16  }
0xd: {  	s29 =	simm.s32 $0x9C00;
	s18 =	sadd.s32 $0x810200, s1;
	[dreg:$0x8] =	wrdreg s17  }
0xe: {  	s6 =	simm.s32 $0xB400;
	s19 =	sadd.s32 $0x810A00, s1;
	[dreg:$0x9] =	wrdreg s18  }
0xf: {  	s7 =	simm.s32 $0xBC00;
	s20 =	sadd.s32 $0x84F200, s1;
	[dreg:$0xa] =	wrdreg s19  }
0x10: {  	s8 =	simm.s32 $0xC400;
	s21 =	sadd.s32 $0x84FA00, s1;
	[dreg:$0xb] =	wrdreg s20  }
0x11: {  	s9 =	simm.s32 $0xCC00;
	s5 =	sadd.s32 $0x850200, s1;
	[dreg:$0xc] =	wrdreg s21  }
0x12: {  	s10 =	simm.s32 $0xD400;
	s23 =	sadd.s32 $0x850A00, s1;
	[dreg:$0xd] =	wrdreg s5  }
0x13: {  	s11 =	simm.s32 $0xDC00;
	s24 =	sadd.s32 $0x88F200, s1;
	[dreg:$0xe] =	wrdreg s23  }
0x14: {  	s0 =	ssub.s32 $0x2, s0;
	s25 =	sadd.s32 $0x88FA00, s1;
	[dreg:$0xf] =	wrdreg s24  }
0x15: {  	s22 =	sshrl.u32 s0, $0x1;
	s26 =	sadd.s32 $0x890200, s1;
	[dreg:$0x10] =	wrdreg s25  }
0x16: {  	s0 =	ssub.s32 s0, s22;
	s1 =	sadd.s32 $0x890A00, s1;
	[dreg:$0x11] =	wrdreg s26  }
0x17: {  	s22 =	simm.s32 $0x8C00;
	[dreg:$0x12] =	wrdreg s1;
	s21 =	smax.u32 s0, $0x1  }
0x18: {  	s18 =	simm.s32 $0x4000;
	s24 =	simm.s32 $0x3;
	s25 =	simm.s32 $0x3400  }
0x19: {  	s26 =	simm.s32 $0x80;
	s1 =	simm.s32 $0x8400;
	s0 =	simm.s32 $0xA400  }
0x1a: {  	v0 =	vlaneseq.u32;
	s4 =	simm.s32 $0xAC00;
	s5 =	simm.s32 $0x1;
	s12 =	simm.s32 $0xE400  }
0x1b: {  	v0 =	vmul.u32 $0x8, v0;
	s13 =	simm.s32 $0xEC00;
	s14 =	simm.s32 $0x2;
	s15 =	simm.s32 $0x0  }
.LBB2_1:
0x1c: {  	s16 =	rddreg [dreg:$0x2];
	s17 =	simm.s32 $0x200  }
0x1d: {  	[tilespmem:s2], [sflag:$0x3] =	stream.strided.gather [hbm4b:s16+s17], $0x3400, s18, s17, $0x38;
	[tilespmem:$0xF400] =	vst v63  }
0x1e: {  	s19 =	simm.s32 $0x0;
	s16 =	sand.u32 $0x1F0, s2  }
0x1f: {  	s23 =	sand.u32 $0x3000, s2;
	s20 =	sand.u32 $0x7, s19;
	v1 =	vmov s16  }
0x20: {  	s17 =	smin.u32 s19, $0x19;
	_ =	swait.ge [sflag:s24], $0x3400;
	s18 =	sor.u32 s23, s20;
	v1 =	vshll.u32 v1, $0x3  }
0x21: {  	s17 =	sshll.u32 s17, $0x9;
	[sflag:s24] =	ssyncset.done $0x0;
	v1 =	vor.u32 s18, v1  }
0x22: {  	s16 =	sor.u32 s16, s17;
	v3 =	vmov s18;
	[sflag:s24] =	ssyncadd.s32 $0xFFFFCC00;
	v1 =	vshrl.u32 v1, $0x7  }
0x23: {  	v3 =	vand.u32 $0x7, v3;
	v2 =	vld [tilespmem:s16+$0x0];
	v1 =	vshll.u32 v1, $0x7  }
0x24: {  	v1 =	vor.u32 v3, v1  }
0x25: {  	v1 =	vbroadcast v1, $0x0  }
0x26: {  	s23 =	simm.s32 $0x10  }
0x27: {  	s16 =	sand.u32 $0x1F0, s23;
	v1 =	vor.u32 v0, v1  }
0x28: {  	s17 =	simm.s32 $0x2;
	s18 =	simm.s32 $0x0;
	v3 =	vmov s16;
	v4 =	vshll.u32 v2, $0x2;
	v5 =	vshll.u32 v2, $0x3  }
.LBB2_2:
0x29: {  	p0 =	sne.s32 s17, $0x3FF;
	s19 =	sand.u32 $0x7, s18;
	s20 =	sand.u32 $0x3000, s23;
	v4 =	vand.u32 $0xFFFF0000, v4;
	v5 =	vand.u32 $0xFFF8, v5;
	v2 =	vshrl.u32 v2, $0xD  }
0x2a: {  	s18 =	smin.u32 s18, $0x19;
	v3 =	vshll.u32 v3, $0x3;
	s19 =	sor.u32 s20, s19;
	v4 =	vor.u32 v5, v4;
	v2 =	vand.u32 $0x1, v2  }
0x2b: {  	s18 =	sshll.u32 s18, $0x9;
	v3 =	vor.u32 s19, v3;
	v2 =	vor.u32 v2, v4  }
0x2c: {  	s16 =	sor.u32 s16, s18;
	v4 =	vmov s19;
	v3 =	vshrl.u32 v3, $0x7;
	[tilespmem:v1+s25+$0x0] =	vst.idx.msk $0xffff, v2  }
0x2d: {  	v1 =	vand.u32 $0x7, v4;
	v2 =	vld [tilespmem:s16+$0x0];
	v3 =	vshll.u32 v3, $0x7  }
.Ltmp0:
0x2e: {  	v1 =	vor.u32 v1, v3;
	(pc) =	sbr.rel @p0 .LBB2_2-.Ltmp0, $4  }
0x2f: {  	v1 =	vbroadcast v1, $0x0  }
0x30: {  	s23 =	sadd.s32 $0x10, s23  }
0x31: {  	s16 =	sand.u32 $0x1F0, s23;
	v1 =	vor.u32 v0, v1  }
0x32: {  	s18 =	sshrl.u32 s17, $0x5;
	s17 =	sadd.s32 $0x1, s17;
	v3 =	vmov s16;
	v4 =	vshll.u32 v2, $0x2;
	v5 =	vshll.u32 v2, $0x3  }
0x33: {  	_ = 	snop  }
0x34: {  	s17 =	sand.u32 $0x7, s18;
	s19 =	sand.u32 $0x3000, s23;
	v4 =	vand.u32 $0xFFFF0000, v4;
	v5 =	vand.u32 $0xFFF8, v5;
	v2 =	vshrl.u32 v2, $0xD  }
0x35: {  	s20 =	smin.u32 s18, $0x19;
	v3 =	vshll.u32 v3, $0x3;
	s17 =	sor.u32 s19, s17;
	v4 =	vor.u32 v5, v4;
	v2 =	vand.u32 $0x1, v2  }
0x36: {  	s18 =	sshll.u32 s20, $0x9;
	v3 =	vor.u32 s17, v3;
	v2 =	vor.u32 v2, v4  }
0x37: {  	s16 =	sor.u32 s16, s18;
	v62 =	vmov s17;
	v3 =	vshrl.u32 v3, $0x7;
	[tilespmem:v1+s25+$0x0] =	vst.idx.msk $0xffff, v2  }
0x38: {  	v2 =	vand.u32 $0x7, v62;
	v1 =	vld [tilespmem:s16+$0x0];
	v3 =	vshll.u32 v3, $0x7  }
0x39: {  	v2 =	vor.u32 v2, v3  }
0x3a: {  	v2 =	vbroadcast v2, $0x0;
	_ =	sdelay $0x1  }
0x3b: {  	v2 =	vor.u32 v0, v2  }
0x3c: {  	v3 =	vshll.u32 v1, $0x2;
	v63 =	vshll.u32 v1, $0x3  }
0x3d: {  	v1 =	vshrl.u32 v1, $0xD;
	v3 =	vand.u32 $0xFFFF0000, v3;
	v4 =	vand.u32 $0xFFF8, v63  }
0x3e: {  	v1 =	vand.u32 $0x1, v1;
	v3 =	vor.u32 v4, v3  }
0x3f: {  	v1 =	vor.u32 v1, v3  }
0x40: {  	[tilespmem:v2+s25+$0x0] =	vst.idx.msk $0xffff, v1  }
0x41: {  	[tilespmem:s28], [sflag:$0x1] =	stream.indirect.gather [hbm4b:s3+s26], $0x10, s25, s26, $0xb8;
	[tilespmem:$0xF400] =	vst v63  }
0x42: {  	s23 =	simm.s32 $0x3480  }
0x43: {  	[tilespmem:s30], [sflag:$0x1] =	stream.indirect.gather [hbm4b:s3+s26], $0x10, s23, s26, $0xb8;
	[tilespmem:$0xF400] =	vst v63  }
0x44: {  	s17 =	simm.s32 $0x3500  }
0x45: {  	[tilespmem:s1], [sflag:$0x1] =	stream.indirect.gather [hbm4b:s3+s26], $0x10, s17, s26, $0xb8;
	[tilespmem:$0xF400] =	vst v63  }
0x46: {  	s18 =	simm.s32 $0x3580  }
0x47: {  	[tilespmem:s22], [sflag:$0x1] =	stream.indirect.gather [hbm4b:s3+s26], $0x10, s18, s26, $0xb8;
	[tilespmem:$0xF400] =	vst v63  }
0x48: {  	s19 =	simm.s32 $0x3600  }
0x49: {  	[tilespmem:s31], [sflag:$0x1] =	stream.indirect.gather [hbm4b:s3+s26], $0x10, s19, s26, $0xb8;
	[tilespmem:$0xF400] =	vst v63  }
0x4a: {  	s20 =	simm.s32 $0x3680  }
0x4b: {  	[tilespmem:s29], [sflag:$0x1] =	stream.indirect.gather [hbm4b:s3+s26], $0x10, s20, s26, $0xb8;
	[tilespmem:$0xF400] =	vst v63  }
0x4c: {  	s23 =	simm.s32 $0x3700  }
0x4d: {  	[tilespmem:s0], [sflag:$0x1] =	stream.indirect.gather [hbm4b:s3+s26], $0x10, s23, s26, $0xb8;
	[tilespmem:$0xF400] =	vst v63  }
0x4e: {  	s17 =	simm.s32 $0x3780  }
0x4f: {  	[tilespmem:s4], [sflag:$0x1] =	stream.indirect.gather [hbm4b:s3+s26], $0x10, s17, s26, $0xb8;
	[tilespmem:$0xF400] =	vst v63  }
0x50: {  	_ =	swait.ge [sflag:s5], $0x4000  }
0x51: {  	[sflag:s5] =	ssyncset.done $0x0  }
0x52: {  	s18 =	rddreg [dreg:$0x3];
	[sflag:s5] =	ssyncadd.s32 $0xFFFFC000  }
0x53: {  	[hbm4b:s18+s2] =	stream.linear.scatter [tilespmem:s28], [sflag:$0x2], $0x4000, $0x38;
	[tilespmem:$0xF400] =	vst v63  }
0x54: {  	s19 =	simm.s32 $0x3800  }
0x55: {  	[tilespmem:s6], [sflag:$0x1] =	stream.indirect.gather [hbm4b:s3+s26], $0x10, s19, s26, $0xb8;
	[tilespmem:$0xF400] =	vst v63  }
0x56: {  	s20 =	simm.s32 $0x3880  }
0x57: {  	[tilespmem:s7], [sflag:$0x1] =	stream.indirect.gather [hbm4b:s3+s26], $0x10, s20, s26, $0xb8;
	[tilespmem:$0xF400] =	vst v63  }
0x58: {  	s23 =	simm.s32 $0x3900  }
0x59: {  	[tilespmem:s8], [sflag:$0x1] =	stream.indirect.gather [hbm4b:s3+s26], $0x10, s23, s26, $0xb8;
	[tilespmem:$0xF400] =	vst v63  }
0x5a: {  	s17 =	simm.s32 $0x3980  }
0x5b: {  	[tilespmem:s9], [sflag:$0x1] =	stream.indirect.gather [hbm4b:s3+s26], $0x10, s17, s26, $0xb8;
	[tilespmem:$0xF400] =	vst v63  }
0x5c: {  	s18 =	simm.s32 $0x3A00  }
0x5d: {  	[tilespmem:s10], [sflag:$0x1] =	stream.indirect.gather [hbm4b:s3+s26], $0x10, s18, s26, $0xb8;
	[tilespmem:$0xF400] =	vst v63  }
0x5e: {  	s19 =	simm.s32 $0x3A80  }
0x5f: {  	[tilespmem:s11], [sflag:$0x1] =	stream.indirect.gather [hbm4b:s3+s26], $0x10, s19, s26, $0xb8;
	[tilespmem:$0xF400] =	vst v63  }
0x60: {  	s20 =	simm.s32 $0x3B00  }
0x61: {  	[tilespmem:s12], [sflag:$0x1] =	stream.indirect.gather [hbm4b:s3+s26], $0x10, s20, s26, $0xb8;
	[tilespmem:$0xF400] =	vst v63  }
0x62: {  	s23 =	simm.s32 $0x3B80  }
0x63: {  	[tilespmem:s13], [sflag:$0x1] =	stream.indirect.gather [hbm4b:s3+s26], $0x10, s23, s26, $0xb8;
	[tilespmem:$0xF400] =	vst v63  }
0x64: {  	_ =	swait.ge [sflag:s5], $0x4000  }
0x65: {  	[sflag:s5] =	ssyncset.done $0x0  }
0x66: {  	s17 =	rddreg [dreg:$0x4];
	[sflag:s5] =	ssyncadd.s32 $0xFFFFC000  }
0x67: {  	[hbm4b:s17+s2] =	stream.linear.scatter [tilespmem:s6], [sflag:$0x2], $0x4000, $0x38;
	[tilespmem:$0xF400] =	vst v63  }
0x68: {  	_ =	swait.ge [sflag:s14], $0x4000  }
0x69: {  	[sflag:s14] =	ssyncset.done $0x0  }
0x6a: {  	s18 =	simm.s32 $0x3C00;
	[sflag:s14] =	ssyncadd.s32 $0xFFFFC000  }
0x6b: {  	[tilespmem:s28], [sflag:$0x1] =	stream.indirect.gather [hbm4b:s3+s26], $0x10, s18, s26, $0xb8;
	[tilespmem:$0xF400] =	vst v63  }
0x6c: {  	s19 =	simm.s32 $0x3C80  }
0x6d: {  	[tilespmem:s30], [sflag:$0x1] =	stream.indirect.gather [hbm4b:s3+s26], $0x10, s19, s26, $0xb8;
	[tilespmem:$0xF400] =	vst v63  }
0x6e: {  	s20 =	simm.s32 $0x3D00  }
0x6f: {  	[tilespmem:s1], [sflag:$0x1] =	stream.indirect.gather [hbm4b:s3+s26], $0x10, s20, s26, $0xb8;
	[tilespmem:$0xF400] =	vst v63  }
0x70: {  	s23 =	simm.s32 $0x3D80  }
0x71: {  	[tilespmem:s22], [sflag:$0x1] =	stream.indirect.gather [hbm4b:s3+s26], $0x10, s23, s26, $0xb8;
	[tilespmem:$0xF400] =	vst v63  }
0x72: {  	s17 =	simm.s32 $0x3E00  }
0x73: {  	[tilespmem:s31], [sflag:$0x1] =	stream.indirect.gather [hbm4b:s3+s26], $0x10, s17, s26, $0xb8;
	[tilespmem:$0xF400] =	vst v63  }
0x74: {  	s18 =	simm.s32 $0x3E80  }
0x75: {  	[tilespmem:s29], [sflag:$0x1] =	stream.indirect.gather [hbm4b:s3+s26], $0x10, s18, s26, $0xb8;
	[tilespmem:$0xF400] =	vst v63  }
0x76: {  	s19 =	simm.s32 $0x3F00  }
0x77: {  	[tilespmem:s0], [sflag:$0x1] =	stream.indirect.gather [hbm4b:s3+s26], $0x10, s19, s26, $0xb8;
	[tilespmem:$0xF400] =	vst v63  }
0x78: {  	s20 =	simm.s32 $0x3F80  }
0x79: {  	[tilespmem:s4], [sflag:$0x1] =	stream.indirect.gather [hbm4b:s3+s26], $0x10, s20, s26, $0xb8;
	[tilespmem:$0xF400] =	vst v63  }
0x7a: {  	_ =	swait.ge [sflag:s5], $0x4000  }
0x7b: {  	[sflag:s5] =	ssyncset.done $0x0  }
0x7c: {  	s23 =	rddreg [dreg:$0x5];
	[sflag:s5] =	ssyncadd.s32 $0xFFFFC000  }
0x7d: {  	[hbm4b:s23+s2] =	stream.linear.scatter [tilespmem:s28], [sflag:$0x2], $0x4000, $0x38;
	[tilespmem:$0xF400] =	vst v63  }
0x7e: {  	_ =	swait.ge [sflag:s14], $0x4000  }
0x7f: {  	[sflag:s14] =	ssyncset.done $0x0  }
0x80: {  	s18 =	simm.s32 $0x4000;
	[sflag:s14] =	ssyncadd.s32 $0xFFFFC000  }
0x81: {  	[tilespmem:s6], [sflag:$0x1] =	stream.indirect.gather [hbm4b:s3+s26], $0x10, s18, s26, $0xb8;
	[tilespmem:$0xF400] =	vst v63  }
0x82: {  	s17 =	simm.s32 $0x4080  }
0x83: {  	[tilespmem:s7], [sflag:$0x1] =	stream.indirect.gather [hbm4b:s3+s26], $0x10, s17, s26, $0xb8;
	[tilespmem:$0xF400] =	vst v63  }
0x84: {  	s19 =	simm.s32 $0x4100  }
0x85: {  	[tilespmem:s8], [sflag:$0x1] =	stream.indirect.gather [hbm4b:s3+s26], $0x10, s19, s26, $0xb8;
	[tilespmem:$0xF400] =	vst v63  }
0x86: {  	s20 =	simm.s32 $0x4180  }
0x87: {  	[tilespmem:s9], [sflag:$0x1] =	stream.indirect.gather [hbm4b:s3+s26], $0x10, s20, s26, $0xb8;
	[tilespmem:$0xF400] =	vst v63  }
0x88: {  	s23 =	simm.s32 $0x4200  }
0x89: {  	[tilespmem:s10], [sflag:$0x1] =	stream.indirect.gather [hbm4b:s3+s26], $0x10, s23, s26, $0xb8;
	[tilespmem:$0xF400] =	vst v63  }
0x8a: {  	s17 =	simm.s32 $0x4280  }
0x8b: {  	[tilespmem:s11], [sflag:$0x1] =	stream.indirect.gather [hbm4b:s3+s26], $0x10, s17, s26, $0xb8;
	[tilespmem:$0xF400] =	vst v63  }
0x8c: {  	s19 =	simm.s32 $0x4300  }
0x8d: {  	[tilespmem:s12], [sflag:$0x1] =	stream.indirect.gather [hbm4b:s3+s26], $0x10, s19, s26, $0xb8;
	[tilespmem:$0xF400] =	vst v63  }
0x8e: {  	s20 =	simm.s32 $0x4380  }
0x8f: {  	[tilespmem:s13], [sflag:$0x1] =	stream.indirect.gather [hbm4b:s3+s26], $0x10, s20, s26, $0xb8;
	[tilespmem:$0xF400] =	vst v63  }
0x90: {  	_ =	swait.ge [sflag:s5], $0x4000  }
0x91: {  	[sflag:s5] =	ssyncset.done $0x0  }
0x92: {  	s23 =	rddreg [dreg:$0x6];
	[sflag:s5] =	ssyncadd.s32 $0xFFFFC000  }
0x93: {  	[hbm4b:s23+s2] =	stream.linear.scatter [tilespmem:s6], [sflag:$0x2], $0x4000, $0x38;
	[tilespmem:$0xF400] =	vst v63  }
0x94: {  	_ =	swait.ge [sflag:s14], $0x4000  }
0x95: {  	[sflag:s14] =	ssyncset.done $0x0  }
0x96: {  	s17 =	simm.s32 $0x4400;
	[sflag:s14] =	ssyncadd.s32 $0xFFFFC000  }
0x97: {  	[tilespmem:s28], [sflag:$0x1] =	stream.indirect.gather [hbm4b:s3+s26], $0x10, s17, s26, $0xb8;
	[tilespmem:$0xF400] =	vst v63  }
0x98: {  	s19 =	simm.s32 $0x4480  }
0x99: {  	[tilespmem:s30], [sflag:$0x1] =	stream.indirect.gather [hbm4b:s3+s26], $0x10, s19, s26, $0xb8;
	[tilespmem:$0xF400] =	vst v63  }
0x9a: {  	s20 =	simm.s32 $0x4500  }
0x9b: {  	[tilespmem:s1], [sflag:$0x1] =	stream.indirect.gather [hbm4b:s3+s26], $0x10, s20, s26, $0xb8;
	[tilespmem:$0xF400] =	vst v63  }
0x9c: {  	s23 =	simm.s32 $0x4580  }
0x9d: {  	[tilespmem:s22], [sflag:$0x1] =	stream.indirect.gather [hbm4b:s3+s26], $0x10, s23, s26, $0xb8;
	[tilespmem:$0xF400] =	vst v63  }
0x9e: {  	s17 =	simm.s32 $0x4600  }
0x9f: {  	[tilespmem:s31], [sflag:$0x1] =	stream.indirect.gather [hbm4b:s3+s26], $0x10, s17, s26, $0xb8;
	[tilespmem:$0xF400] =	vst v63  }
0xa0: {  	s19 =	simm.s32 $0x4680  }
0xa1: {  	[tilespmem:s29], [sflag:$0x1] =	stream.indirect.gather [hbm4b:s3+s26], $0x10, s19, s26, $0xb8;
	[tilespmem:$0xF400] =	vst v63  }
0xa2: {  	s20 =	simm.s32 $0x4700  }
0xa3: {  	[tilespmem:s0], [sflag:$0x1] =	stream.indirect.gather [hbm4b:s3+s26], $0x10, s20, s26, $0xb8;
	[tilespmem:$0xF400] =	vst v63  }
0xa4: {  	s23 =	simm.s32 $0x4780  }
0xa5: {  	[tilespmem:s4], [sflag:$0x1] =	stream.indirect.gather [hbm4b:s3+s26], $0x10, s23, s26, $0xb8;
	[tilespmem:$0xF400] =	vst v63  }
0xa6: {  	_ =	swait.ge [sflag:s5], $0x4000  }
0xa7: {  	[sflag:s5] =	ssyncset.done $0x0  }
0xa8: {  	s17 =	rddreg [dreg:$0x7];
	[sflag:s5] =	ssyncadd.s32 $0xFFFFC000  }
0xa9: {  	[hbm4b:s17+s2] =	stream.linear.scatter [tilespmem:s28], [sflag:$0x2], $0x4000, $0x38;
	[tilespmem:$0xF400] =	vst v63  }
0xaa: {  	_ =	swait.ge [sflag:s14], $0x4000  }
0xab: {  	[sflag:s14] =	ssyncset.done $0x0  }
0xac: {  	s19 =	simm.s32 $0x4800;
	[sflag:s14] =	ssyncadd.s32 $0xFFFFC000  }
0xad: {  	[tilespmem:s6], [sflag:$0x1] =	stream.indirect.gather [hbm4b:s3+s26], $0x10, s19, s26, $0xb8;
	[tilespmem:$0xF400] =	vst v63  }
0xae: {  	s20 =	simm.s32 $0x4880  }
0xaf: {  	[tilespmem:s7], [sflag:$0x1] =	stream.indirect.gather [hbm4b:s3+s26], $0x10, s20, s26, $0xb8;
	[tilespmem:$0xF400] =	vst v63  }
0xb0: {  	s23 =	simm.s32 $0x4900  }
0xb1: {  	[tilespmem:s8], [sflag:$0x1] =	stream.indirect.gather [hbm4b:s3+s26], $0x10, s23, s26, $0xb8;
	[tilespmem:$0xF400] =	vst v63  }
0xb2: {  	s17 =	simm.s32 $0x4980  }
0xb3: {  	[tilespmem:s9], [sflag:$0x1] =	stream.indirect.gather [hbm4b:s3+s26], $0x10, s17, s26, $0xb8;
	[tilespmem:$0xF400] =	vst v63  }
0xb4: {  	s19 =	simm.s32 $0x4A00  }
0xb5: {  	[tilespmem:s10], [sflag:$0x1] =	stream.indirect.gather [hbm4b:s3+s26], $0x10, s19, s26, $0xb8;
	[tilespmem:$0xF400] =	vst v63  }
0xb6: {  	s20 =	simm.s32 $0x4A80  }
0xb7: {  	[tilespmem:s11], [sflag:$0x1] =	stream.indirect.gather [hbm4b:s3+s26], $0x10, s20, s26, $0xb8;
	[tilespmem:$0xF400] =	vst v63  }
0xb8: {  	s23 =	simm.s32 $0x4B00  }
0xb9: {  	[tilespmem:s12], [sflag:$0x1] =	stream.indirect.gather [hbm4b:s3+s26], $0x10, s23, s26, $0xb8;
	[tilespmem:$0xF400] =	vst v63  }
0xba: {  	s17 =	simm.s32 $0x4B80  }
0xbb: {  	[tilespmem:s13], [sflag:$0x1] =	stream.indirect.gather [hbm4b:s3+s26], $0x10, s17, s26, $0xb8;
	[tilespmem:$0xF400] =	vst v63  }
0xbc: {  	_ =	swait.ge [sflag:s5], $0x4000  }
0xbd: {  	[sflag:s5] =	ssyncset.done $0x0  }
0xbe: {  	s19 =	rddreg [dreg:$0x8];
	[sflag:s5] =	ssyncadd.s32 $0xFFFFC000  }
0xbf: {  	[hbm4b:s19+s2] =	stream.linear.scatter [tilespmem:s6], [sflag:$0x2], $0x4000, $0x38;
	[tilespmem:$0xF400] =	vst v63  }
0xc0: {  	_ =	swait.ge [sflag:s14], $0x4000  }
0xc1: {  	[sflag:s14] =	ssyncset.done $0x0  }
0xc2: {  	s20 =	simm.s32 $0x4C00;
	[sflag:s14] =	ssyncadd.s32 $0xFFFFC000  }
0xc3: {  	[tilespmem:s28], [sflag:$0x1] =	stream.indirect.gather [hbm4b:s3+s26], $0x10, s20, s26, $0xb8;
	[tilespmem:$0xF400] =	vst v63  }
0xc4: {  	s23 =	simm.s32 $0x4C80  }
0xc5: {  	[tilespmem:s30], [sflag:$0x1] =	stream.indirect.gather [hbm4b:s3+s26], $0x10, s23, s26, $0xb8;
	[tilespmem:$0xF400] =	vst v63  }
0xc6: {  	s17 =	simm.s32 $0x4D00  }
0xc7: {  	[tilespmem:s1], [sflag:$0x1] =	stream.indirect.gather [hbm4b:s3+s26], $0x10, s17, s26, $0xb8;
	[tilespmem:$0xF400] =	vst v63  }
0xc8: {  	s19 =	simm.s32 $0x4D80  }
0xc9: {  	[tilespmem:s22], [sflag:$0x1] =	stream.indirect.gather [hbm4b:s3+s26], $0x10, s19, s26, $0xb8;
	[tilespmem:$0xF400] =	vst v63  }
0xca: {  	s20 =	simm.s32 $0x4E00  }
0xcb: {  	[tilespmem:s31], [sflag:$0x1] =	stream.indirect.gather [hbm4b:s3+s26], $0x10, s20, s26, $0xb8;
	[tilespmem:$0xF400] =	vst v63  }
0xcc: {  	s23 =	simm.s32 $0x4E80  }
0xcd: {  	[tilespmem:s29], [sflag:$0x1] =	stream.indirect.gather [hbm4b:s3+s26], $0x10, s23, s26, $0xb8;
	[tilespmem:$0xF400] =	vst v63  }
0xce: {  	s17 =	simm.s32 $0x4F00  }
0xcf: {  	[tilespmem:s0], [sflag:$0x1] =	stream.indirect.gather [hbm4b:s3+s26], $0x10, s17, s26, $0xb8;
	[tilespmem:$0xF400] =	vst v63  }
0xd0: {  	s19 =	simm.s32 $0x4F80  }
0xd1: {  	[tilespmem:s4], [sflag:$0x1] =	stream.indirect.gather [hbm4b:s3+s26], $0x10, s19, s26, $0xb8;
	[tilespmem:$0xF400] =	vst v63  }
0xd2: {  	_ =	swait.ge [sflag:s5], $0x4000  }
0xd3: {  	[sflag:s5] =	ssyncset.done $0x0  }
0xd4: {  	s20 =	rddreg [dreg:$0x9];
	[sflag:s5] =	ssyncadd.s32 $0xFFFFC000  }
0xd5: {  	[hbm4b:s20+s2] =	stream.linear.scatter [tilespmem:s28], [sflag:$0x2], $0x4000, $0x38;
	[tilespmem:$0xF400] =	vst v63  }
0xd6: {  	_ =	swait.ge [sflag:s14], $0x4000  }
0xd7: {  	[sflag:s14] =	ssyncset.done $0x0  }
0xd8: {  	s23 =	simm.s32 $0x5000;
	[sflag:s14] =	ssyncadd.s32 $0xFFFFC000  }
0xd9: {  	[tilespmem:s6], [sflag:$0x1] =	stream.indirect.gather [hbm4b:s3+s26], $0x10, s23, s26, $0xb8;
	[tilespmem:$0xF400] =	vst v63  }
0xda: {  	s17 =	simm.s32 $0x5080  }
0xdb: {  	[tilespmem:s7], [sflag:$0x1] =	stream.indirect.gather [hbm4b:s3+s26], $0x10, s17, s26, $0xb8;
	[tilespmem:$0xF400] =	vst v63  }
0xdc: {  	s19 =	simm.s32 $0x5100  }
0xdd: {  	[tilespmem:s8], [sflag:$0x1] =	stream.indirect.gather [hbm4b:s3+s26], $0x10, s19, s26, $0xb8;
	[tilespmem:$0xF400] =	vst v63  }
0xde: {  	s20 =	simm.s32 $0x5180  }
0xdf: {  	[tilespmem:s9], [sflag:$0x1] =	stream.indirect.gather [hbm4b:s3+s26], $0x10, s20, s26, $0xb8;
	[tilespmem:$0xF400] =	vst v63  }
0xe0: {  	s23 =	simm.s32 $0x5200  }
0xe1: {  	[tilespmem:s10], [sflag:$0x1] =	stream.indirect.gather [hbm4b:s3+s26], $0x10, s23, s26, $0xb8;
	[tilespmem:$0xF400] =	vst v63  }
0xe2: {  	s17 =	simm.s32 $0x5280  }
0xe3: {  	[tilespmem:s11], [sflag:$0x1] =	stream.indirect.gather [hbm4b:s3+s26], $0x10, s17, s26, $0xb8;
	[tilespmem:$0xF400] =	vst v63  }
0xe4: {  	s19 =	simm.s32 $0x5300  }
0xe5: {  	[tilespmem:s12], [sflag:$0x1] =	stream.indirect.gather [hbm4b:s3+s26], $0x10, s19, s26, $0xb8;
	[tilespmem:$0xF400] =	vst v63  }
0xe6: {  	s20 =	simm.s32 $0x5380  }
0xe7: {  	[tilespmem:s13], [sflag:$0x1] =	stream.indirect.gather [hbm4b:s3+s26], $0x10, s20, s26, $0xb8;
	[tilespmem:$0xF400] =	vst v63  }
0xe8: {  	_ =	swait.ge [sflag:s5], $0x4000  }
0xe9: {  	[sflag:s5] =	ssyncset.done $0x0  }
0xea: {  	s23 =	rddreg [dreg:$0xa];
	[sflag:s5] =	ssyncadd.s32 $0xFFFFC000  }
0xeb: {  	[hbm4b:s23+s2] =	stream.linear.scatter [tilespmem:s6], [sflag:$0x2], $0x4000, $0x38;
	[tilespmem:$0xF400] =	vst v63  }
0xec: {  	_ =	swait.ge [sflag:s14], $0x4000  }
0xed: {  	[sflag:s14] =	ssyncset.done $0x0  }
0xee: {  	s17 =	simm.s32 $0x5400;
	[sflag:s14] =	ssyncadd.s32 $0xFFFFC000  }
0xef: {  	[tilespmem:s28], [sflag:$0x1] =	stream.indirect.gather [hbm4b:s3+s26], $0x10, s17, s26, $0xb8;
	[tilespmem:$0xF400] =	vst v63  }
0xf0: {  	s19 =	simm.s32 $0x5480  }
0xf1: {  	[tilespmem:s30], [sflag:$0x1] =	stream.indirect.gather [hbm4b:s3+s26], $0x10, s19, s26, $0xb8;
	[tilespmem:$0xF400] =	vst v63  }
0xf2: {  	s20 =	simm.s32 $0x5500  }
0xf3: {  	[tilespmem:s1], [sflag:$0x1] =	stream.indirect.gather [hbm4b:s3+s26], $0x10, s20, s26, $0xb8;
	[tilespmem:$0xF400] =	vst v63  }
0xf4: {  	s23 =	simm.s32 $0x5580  }
0xf5: {  	[tilespmem:s22], [sflag:$0x1] =	stream.indirect.gather [hbm4b:s3+s26], $0x10, s23, s26, $0xb8;
	[tilespmem:$0xF400] =	vst v63  }
0xf6: {  	s17 =	simm.s32 $0x5600  }
0xf7: {  	[tilespmem:s31], [sflag:$0x1] =	stream.indirect.gather [hbm4b:s3+s26], $0x10, s17, s26, $0xb8;
	[tilespmem:$0xF400] =	vst v63  }
0xf8: {  	s19 =	simm.s32 $0x5680  }
0xf9: {  	[tilespmem:s29], [sflag:$0x1] =	stream.indirect.gather [hbm4b:s3+s26], $0x10, s19, s26, $0xb8;
	[tilespmem:$0xF400] =	vst v63  }
0xfa: {  	s20 =	simm.s32 $0x5700  }
0xfb: {  	[tilespmem:s0], [sflag:$0x1] =	stream.indirect.gather [hbm4b:s3+s26], $0x10, s20, s26, $0xb8;
	[tilespmem:$0xF400] =	vst v63  }
0xfc: {  	s23 =	simm.s32 $0x5780  }
0xfd: {  	[tilespmem:s4], [sflag:$0x1] =	stream.indirect.gather [hbm4b:s3+s26], $0x10, s23, s26, $0xb8;
	[tilespmem:$0xF400] =	vst v63  }
0xfe: {  	_ =	swait.ge [sflag:s5], $0x4000  }
0xff: {  	[sflag:s5] =	ssyncset.done $0x0  }
0x100: {  	s17 =	rddreg [dreg:$0xb];
	[sflag:s5] =	ssyncadd.s32 $0xFFFFC000  }
0x101: {  	[hbm4b:s17+s2] =	stream.linear.scatter [tilespmem:s28], [sflag:$0x2], $0x4000, $0x38;
	[tilespmem:$0xF400] =	vst v63  }
0x102: {  	_ =	swait.ge [sflag:s14], $0x4000  }
0x103: {  	[sflag:s14] =	ssyncset.done $0x0  }
0x104: {  	s19 =	simm.s32 $0x5800;
	[sflag:s14] =	ssyncadd.s32 $0xFFFFC000  }
0x105: {  	[tilespmem:s6], [sflag:$0x1] =	stream.indirect.gather [hbm4b:s3+s26], $0x10, s19, s26, $0xb8;
	[tilespmem:$0xF400] =	vst v63  }
0x106: {  	s20 =	simm.s32 $0x5880  }
0x107: {  	[tilespmem:s7], [sflag:$0x1] =	stream.indirect.gather [hbm4b:s3+s26], $0x10, s20, s26, $0xb8;
	[tilespmem:$0xF400] =	vst v63  }
0x108: {  	s23 =	simm.s32 $0x5900  }
0x109: {  	[tilespmem:s8], [sflag:$0x1] =	stream.indirect.gather [hbm4b:s3+s26], $0x10, s23, s26, $0xb8;
	[tilespmem:$0xF400] =	vst v63  }
0x10a: {  	s17 =	simm.s32 $0x5980  }
0x10b: {  	[tilespmem:s9], [sflag:$0x1] =	stream.indirect.gather [hbm4b:s3+s26], $0x10, s17, s26, $0xb8;
	[tilespmem:$0xF400] =	vst v63  }
0x10c: {  	s19 =	simm.s32 $0x5A00  }
0x10d: {  	[tilespmem:s10], [sflag:$0x1] =	stream.indirect.gather [hbm4b:s3+s26], $0x10, s19, s26, $0xb8;
	[tilespmem:$0xF400] =	vst v63  }
0x10e: {  	s20 =	simm.s32 $0x5A80  }
0x10f: {  	[tilespmem:s11], [sflag:$0x1] =	stream.indirect.gather [hbm4b:s3+s26], $0x10, s20, s26, $0xb8;
	[tilespmem:$0xF400] =	vst v63  }
0x110: {  	s23 =	simm.s32 $0x5B00  }
0x111: {  	[tilespmem:s12], [sflag:$0x1] =	stream.indirect.gather [hbm4b:s3+s26], $0x10, s23, s26, $0xb8;
	[tilespmem:$0xF400] =	vst v63  }
0x112: {  	s17 =	simm.s32 $0x5B80  }
0x113: {  	[tilespmem:s13], [sflag:$0x1] =	stream.indirect.gather [hbm4b:s3+s26], $0x10, s17, s26, $0xb8;
	[tilespmem:$0xF400] =	vst v63  }
0x114: {  	_ =	swait.ge [sflag:s5], $0x4000  }
0x115: {  	[sflag:s5] =	ssyncset.done $0x0  }
0x116: {  	s19 =	rddreg [dreg:$0xc];
	[sflag:s5] =	ssyncadd.s32 $0xFFFFC000  }
0x117: {  	[hbm4b:s19+s2] =	stream.linear.scatter [tilespmem:s6], [sflag:$0x2], $0x4000, $0x38;
	[tilespmem:$0xF400] =	vst v63  }
0x118: {  	_ =	swait.ge [sflag:s14], $0x4000  }
0x119: {  	[sflag:s14] =	ssyncset.done $0x0  }
0x11a: {  	s20 =	simm.s32 $0x5C00;
	[sflag:s14] =	ssyncadd.s32 $0xFFFFC000  }
0x11b: {  	[tilespmem:s28], [sflag:$0x1] =	stream.indirect.gather [hbm4b:s3+s26], $0x10, s20, s26, $0xb8;
	[tilespmem:$0xF400] =	vst v63  }
0x11c: {  	s23 =	simm.s32 $0x5C80  }
0x11d: {  	[tilespmem:s30], [sflag:$0x1] =	stream.indirect.gather [hbm4b:s3+s26], $0x10, s23, s26, $0xb8;
	[tilespmem:$0xF400] =	vst v63  }
0x11e: {  	s17 =	simm.s32 $0x5D00  }
0x11f: {  	[tilespmem:s1], [sflag:$0x1] =	stream.indirect.gather [hbm4b:s3+s26], $0x10, s17, s26, $0xb8;
	[tilespmem:$0xF400] =	vst v63  }
0x120: {  	s19 =	simm.s32 $0x5D80  }
0x121: {  	[tilespmem:s22], [sflag:$0x1] =	stream.indirect.gather [hbm4b:s3+s26], $0x10, s19, s26, $0xb8;
	[tilespmem:$0xF400] =	vst v63  }
0x122: {  	s20 =	simm.s32 $0x5E00  }
0x123: {  	[tilespmem:s31], [sflag:$0x1] =	stream.indirect.gather [hbm4b:s3+s26], $0x10, s20, s26, $0xb8;
	[tilespmem:$0xF400] =	vst v63  }
0x124: {  	s23 =	simm.s32 $0x5E80  }
0x125: {  	[tilespmem:s29], [sflag:$0x1] =	stream.indirect.gather [hbm4b:s3+s26], $0x10, s23, s26, $0xb8;
	[tilespmem:$0xF400] =	vst v63  }
0x126: {  	s17 =	simm.s32 $0x5F00  }
0x127: {  	[tilespmem:s0], [sflag:$0x1] =	stream.indirect.gather [hbm4b:s3+s26], $0x10, s17, s26, $0xb8;
	[tilespmem:$0xF400] =	vst v63  }
0x128: {  	s19 =	simm.s32 $0x5F80  }
0x129: {  	[tilespmem:s4], [sflag:$0x1] =	stream.indirect.gather [hbm4b:s3+s26], $0x10, s19, s26, $0xb8;
	[tilespmem:$0xF400] =	vst v63  }
0x12a: {  	_ =	swait.ge [sflag:s5], $0x4000  }
0x12b: {  	[sflag:s5] =	ssyncset.done $0x0  }
0x12c: {  	s20 =	rddreg [dreg:$0xd];
	[sflag:s5] =	ssyncadd.s32 $0xFFFFC000  }
0x12d: {  	[hbm4b:s20+s2] =	stream.linear.scatter [tilespmem:s28], [sflag:$0x2], $0x4000, $0x38;
	[tilespmem:$0xF400] =	vst v63  }
0x12e: {  	_ =	swait.ge [sflag:s14], $0x4000  }
0x12f: {  	[sflag:s14] =	ssyncset.done $0x0  }
0x130: {  	s23 =	simm.s32 $0x6000;
	[sflag:s14] =	ssyncadd.s32 $0xFFFFC000  }
0x131: {  	[tilespmem:s6], [sflag:$0x1] =	stream.indirect.gather [hbm4b:s3+s26], $0x10, s23, s26, $0xb8;
	[tilespmem:$0xF400] =	vst v63  }
0x132: {  	s17 =	simm.s32 $0x6080  }
0x133: {  	[tilespmem:s7], [sflag:$0x1] =	stream.indirect.gather [hbm4b:s3+s26], $0x10, s17, s26, $0xb8;
	[tilespmem:$0xF400] =	vst v63  }
0x134: {  	s19 =	simm.s32 $0x6100  }
0x135: {  	[tilespmem:s8], [sflag:$0x1] =	stream.indirect.gather [hbm4b:s3+s26], $0x10, s19, s26, $0xb8;
	[tilespmem:$0xF400] =	vst v63  }
0x136: {  	s20 =	simm.s32 $0x6180  }
0x137: {  	[tilespmem:s9], [sflag:$0x1] =	stream.indirect.gather [hbm4b:s3+s26], $0x10, s20, s26, $0xb8;
	[tilespmem:$0xF400] =	vst v63  }
0x138: {  	s23 =	simm.s32 $0x6200  }
0x139: {  	[tilespmem:s10], [sflag:$0x1] =	stream.indirect.gather [hbm4b:s3+s26], $0x10, s23, s26, $0xb8;
	[tilespmem:$0xF400] =	vst v63  }
0x13a: {  	s17 =	simm.s32 $0x6280  }
0x13b: {  	[tilespmem:s11], [sflag:$0x1] =	stream.indirect.gather [hbm4b:s3+s26], $0x10, s17, s26, $0xb8;
	[tilespmem:$0xF400] =	vst v63  }
0x13c: {  	s19 =	simm.s32 $0x6300  }
0x13d: {  	[tilespmem:s12], [sflag:$0x1] =	stream.indirect.gather [hbm4b:s3+s26], $0x10, s19, s26, $0xb8;
	[tilespmem:$0xF400] =	vst v63  }
0x13e: {  	s20 =	simm.s32 $0x6380  }
0x13f: {  	[tilespmem:s13], [sflag:$0x1] =	stream.indirect.gather [hbm4b:s3+s26], $0x10, s20, s26, $0xb8;
	[tilespmem:$0xF400] =	vst v63  }
0x140: {  	_ =	swait.ge [sflag:s5], $0x4000  }
0x141: {  	[sflag:s5] =	ssyncset.done $0x0  }
0x142: {  	s23 =	rddreg [dreg:$0xe];
	[sflag:s5] =	ssyncadd.s32 $0xFFFFC000  }
0x143: {  	[hbm4b:s23+s2] =	stream.linear.scatter [tilespmem:s6], [sflag:$0x2], $0x4000, $0x38;
	[tilespmem:$0xF400] =	vst v63  }
0x144: {  	_ =	swait.ge [sflag:s14], $0x4000  }
0x145: {  	[sflag:s14] =	ssyncset.done $0x0  }
0x146: {  	s17 =	simm.s32 $0x6400;
	[sflag:s14] =	ssyncadd.s32 $0xFFFFC000  }
0x147: {  	[tilespmem:s28], [sflag:$0x1] =	stream.indirect.gather [hbm4b:s3+s26], $0x10, s17, s26, $0xb8;
	[tilespmem:$0xF400] =	vst v63  }
0x148: {  	s19 =	simm.s32 $0x6480  }
0x149: {  	[tilespmem:s30], [sflag:$0x1] =	stream.indirect.gather [hbm4b:s3+s26], $0x10, s19, s26, $0xb8;
	[tilespmem:$0xF400] =	vst v63  }
0x14a: {  	s20 =	simm.s32 $0x6500  }
0x14b: {  	[tilespmem:s1], [sflag:$0x1] =	stream.indirect.gather [hbm4b:s3+s26], $0x10, s20, s26, $0xb8;
	[tilespmem:$0xF400] =	vst v63  }
0x14c: {  	s23 =	simm.s32 $0x6580  }
0x14d: {  	[tilespmem:s22], [sflag:$0x1] =	stream.indirect.gather [hbm4b:s3+s26], $0x10, s23, s26, $0xb8;
	[tilespmem:$0xF400] =	vst v63  }
0x14e: {  	s17 =	simm.s32 $0x6600  }
0x14f: {  	[tilespmem:s31], [sflag:$0x1] =	stream.indirect.gather [hbm4b:s3+s26], $0x10, s17, s26, $0xb8;
	[tilespmem:$0xF400] =	vst v63  }
0x150: {  	s19 =	simm.s32 $0x6680  }
0x151: {  	[tilespmem:s29], [sflag:$0x1] =	stream.indirect.gather [hbm4b:s3+s26], $0x10, s19, s26, $0xb8;
	[tilespmem:$0xF400] =	vst v63  }
0x152: {  	s20 =	simm.s32 $0x6700  }
0x153: {  	[tilespmem:s0], [sflag:$0x1] =	stream.indirect.gather [hbm4b:s3+s26], $0x10, s20, s26, $0xb8;
	[tilespmem:$0xF400] =	vst v63  }
0x154: {  	s23 =	simm.s32 $0x6780  }
0x155: {  	[tilespmem:s4], [sflag:$0x1] =	stream.indirect.gather [hbm4b:s3+s26], $0x10, s23, s26, $0xb8;
	[tilespmem:$0xF400] =	vst v63  }
0x156: {  	_ =	swait.ge [sflag:s5], $0x4000  }
0x157: {  	[sflag:s5] =	ssyncset.done $0x0  }
0x158: {  	s17 =	rddreg [dreg:$0xf];
	[sflag:s5] =	ssyncadd.s32 $0xFFFFC000  }
0x159: {  	[hbm4b:s17+s2] =	stream.linear.scatter [tilespmem:s28], [sflag:$0x2], $0x4000, $0x38;
	[tilespmem:$0xF400] =	vst v63  }
0x15a: {  	_ =	swait.ge [sflag:s14], $0x4000  }
0x15b: {  	[sflag:s14] =	ssyncset.done $0x0  }
0x15c: {  	s19 =	simm.s32 $0x6800;
	[sflag:s14] =	ssyncadd.s32 $0xFFFFC000  }
0x15d: {  	[tilespmem:s6], [sflag:$0x1] =	stream.indirect.gather [hbm4b:s3+s26], $0x10, s19, s26, $0xb8;
	[tilespmem:$0xF400] =	vst v63  }
0x15e: {  	s20 =	simm.s32 $0x6880  }
0x15f: {  	[tilespmem:s7], [sflag:$0x1] =	stream.indirect.gather [hbm4b:s3+s26], $0x10, s20, s26, $0xb8;
	[tilespmem:$0xF400] =	vst v63  }
0x160: {  	s23 =	simm.s32 $0x6900  }
0x161: {  	[tilespmem:s8], [sflag:$0x1] =	stream.indirect.gather [hbm4b:s3+s26], $0x10, s23, s26, $0xb8;
	[tilespmem:$0xF400] =	vst v63  }
0x162: {  	s17 =	simm.s32 $0x6980  }
0x163: {  	[tilespmem:s9], [sflag:$0x1] =	stream.indirect.gather [hbm4b:s3+s26], $0x10, s17, s26, $0xb8;
	[tilespmem:$0xF400] =	vst v63  }
0x164: {  	s19 =	simm.s32 $0x6A00  }
0x165: {  	[tilespmem:s10], [sflag:$0x1] =	stream.indirect.gather [hbm4b:s3+s26], $0x10, s19, s26, $0xb8;
	[tilespmem:$0xF400] =	vst v63  }
0x166: {  	s20 =	simm.s32 $0x6A80  }
0x167: {  	[tilespmem:s11], [sflag:$0x1] =	stream.indirect.gather [hbm4b:s3+s26], $0x10, s20, s26, $0xb8;
	[tilespmem:$0xF400] =	vst v63  }
0x168: {  	s23 =	simm.s32 $0x6B00  }
0x169: {  	[tilespmem:s12], [sflag:$0x1] =	stream.indirect.gather [hbm4b:s3+s26], $0x10, s23, s26, $0xb8;
	[tilespmem:$0xF400] =	vst v63  }
0x16a: {  	s17 =	simm.s32 $0x6B80  }
0x16b: {  	[tilespmem:s13], [sflag:$0x1] =	stream.indirect.gather [hbm4b:s3+s26], $0x10, s17, s26, $0xb8;
	[tilespmem:$0xF400] =	vst v63  }
0x16c: {  	_ =	swait.ge [sflag:s5], $0x4000  }
0x16d: {  	[sflag:s5] =	ssyncset.done $0x0  }
0x16e: {  	s19 =	rddreg [dreg:$0x10];
	[sflag:s5] =	ssyncadd.s32 $0xFFFFC000  }
0x16f: {  	[hbm4b:s19+s2] =	stream.linear.scatter [tilespmem:s6], [sflag:$0x2], $0x4000, $0x38;
	[tilespmem:$0xF400] =	vst v63  }
0x170: {  	_ =	swait.ge [sflag:s14], $0x4000  }
0x171: {  	[sflag:s14] =	ssyncset.done $0x0  }
0x172: {  	s20 =	simm.s32 $0x6C00;
	[sflag:s14] =	ssyncadd.s32 $0xFFFFC000  }
0x173: {  	[tilespmem:s28], [sflag:$0x1] =	stream.indirect.gather [hbm4b:s3+s26], $0x10, s20, s26, $0xb8;
	[tilespmem:$0xF400] =	vst v63  }
0x174: {  	s23 =	simm.s32 $0x6C80  }
0x175: {  	[tilespmem:s30], [sflag:$0x1] =	stream.indirect.gather [hbm4b:s3+s26], $0x10, s23, s26, $0xb8;
	[tilespmem:$0xF400] =	vst v63  }
0x176: {  	s17 =	simm.s32 $0x6D00  }
0x177: {  	[tilespmem:s1], [sflag:$0x1] =	stream.indirect.gather [hbm4b:s3+s26], $0x10, s17, s26, $0xb8;
	[tilespmem:$0xF400] =	vst v63  }
0x178: {  	s19 =	simm.s32 $0x6D80  }
0x179: {  	[tilespmem:s22], [sflag:$0x1] =	stream.indirect.gather [hbm4b:s3+s26], $0x10, s19, s26, $0xb8;
	[tilespmem:$0xF400] =	vst v63  }
0x17a: {  	s20 =	simm.s32 $0x6E00  }
0x17b: {  	[tilespmem:s31], [sflag:$0x1] =	stream.indirect.gather [hbm4b:s3+s26], $0x10, s20, s26, $0xb8;
	[tilespmem:$0xF400] =	vst v63  }
0x17c: {  	s23 =	simm.s32 $0x6E80  }
0x17d: {  	[tilespmem:s29], [sflag:$0x1] =	stream.indirect.gather [hbm4b:s3+s26], $0x10, s23, s26, $0xb8;
	[tilespmem:$0xF400] =	vst v63  }
0x17e: {  	s17 =	simm.s32 $0x6F00  }
0x17f: {  	[tilespmem:s0], [sflag:$0x1] =	stream.indirect.gather [hbm4b:s3+s26], $0x10, s17, s26, $0xb8;
	[tilespmem:$0xF400] =	vst v63  }
0x180: {  	s19 =	simm.s32 $0x6F80  }
0x181: {  	[tilespmem:s4], [sflag:$0x1] =	stream.indirect.gather [hbm4b:s3+s26], $0x10, s19, s26, $0xb8;
	[tilespmem:$0xF400] =	vst v63  }
0x182: {  	_ =	swait.ge [sflag:s5], $0x4000  }
0x183: {  	[sflag:s5] =	ssyncset.done $0x0  }
0x184: {  	s20 =	rddreg [dreg:$0x11];
	[sflag:s5] =	ssyncadd.s32 $0xFFFFC000  }
0x185: {  	[hbm4b:s20+s2] =	stream.linear.scatter [tilespmem:s28], [sflag:$0x2], $0x4000, $0x38;
	[tilespmem:$0xF400] =	vst v63  }
0x186: {  	_ =	swait.ge [sflag:s14], $0x4000  }
0x187: {  	[sflag:s14] =	ssyncset.done $0x0  }
0x188: {  	s23 =	simm.s32 $0x7000;
	[sflag:s14] =	ssyncadd.s32 $0xFFFFC000  }
0x189: {  	[tilespmem:s6], [sflag:$0x1] =	stream.indirect.gather [hbm4b:s3+s26], $0x10, s23, s26, $0xb8;
	[tilespmem:$0xF400] =	vst v63  }
0x18a: {  	s17 =	simm.s32 $0x7080  }
0x18b: {  	[tilespmem:s7], [sflag:$0x1] =	stream.indirect.gather [hbm4b:s3+s26], $0x10, s17, s26, $0xb8;
	[tilespmem:$0xF400] =	vst v63  }
0x18c: {  	s19 =	simm.s32 $0x7100  }
0x18d: {  	[tilespmem:s8], [sflag:$0x1] =	stream.indirect.gather [hbm4b:s3+s26], $0x10, s19, s26, $0xb8;
	[tilespmem:$0xF400] =	vst v63  }
0x18e: {  	s20 =	simm.s32 $0x7180  }
0x18f: {  	[tilespmem:s9], [sflag:$0x1] =	stream.indirect.gather [hbm4b:s3+s26], $0x10, s20, s26, $0xb8;
	[tilespmem:$0xF400] =	vst v63  }
0x190: {  	s23 =	simm.s32 $0x7200  }
0x191: {  	[tilespmem:s10], [sflag:$0x1] =	stream.indirect.gather [hbm4b:s3+s26], $0x10, s23, s26, $0xb8;
	[tilespmem:$0xF400] =	vst v63  }
0x192: {  	s17 =	simm.s32 $0x7280  }
0x193: {  	[tilespmem:s11], [sflag:$0x1] =	stream.indirect.gather [hbm4b:s3+s26], $0x10, s17, s26, $0xb8;
	[tilespmem:$0xF400] =	vst v63  }
0x194: {  	s19 =	simm.s32 $0x7300  }
0x195: {  	[tilespmem:s12], [sflag:$0x1] =	stream.indirect.gather [hbm4b:s3+s26], $0x10, s19, s26, $0xb8;
	[tilespmem:$0xF400] =	vst v63  }
0x196: {  	s20 =	simm.s32 $0x7380  }
0x197: {  	[tilespmem:s13], [sflag:$0x1] =	stream.indirect.gather [hbm4b:s3+s26], $0x10, s20, s26, $0xb8;
	[tilespmem:$0xF400] =	vst v63  }
0x198: {  	_ =	swait.ge [sflag:s5], $0x4000  }
0x199: {  	[sflag:s5] =	ssyncset.done $0x0  }
0x19a: {  	s15 =	sadd.s32 $0x1, s15;
	s23 =	rddreg [dreg:$0x12];
	[sflag:s5] =	ssyncadd.s32 $0xFFFFC000  }
0x19b: {  	[hbm4b:s23+s2] =	stream.linear.scatter [tilespmem:s6], [sflag:$0x2], $0x4000, $0x38;
	[tilespmem:$0xF400] =	vst v63  }
0x19c: {  	p0 =	sne.s32 s15, s21;
	_ =	swait.ge [sflag:s14], $0x4000  }
.Ltmp1:
0x19d: {  	[sflag:s14] =	ssyncset.done $0x0;
	(pc) =	sbr.rel @p0 .LBB2_1-.Ltmp1, $4  }
0x19e: {  	[sflag:s14] =	ssyncadd.s32 $0xFFFFC000  }
0x19f: {  	_ =	swait.ge [sflag:s14], $0x4000  }
0x1a0: {  	[sflag:s14] =	ssyncset.done $0x0  }
0x1a1: {  	[sflag:s14] =	ssyncadd.s32 $0xFFFFC000  }
0x1a2: {  	_ =	sfence.sel $0x180000  }
0x1a3: {  	[bflag:$0x0] =	sbarrier.arrive $0xFFFF  }
0x1a4: {  	_ =	strace $0x90000047  }
0x1a5: {  	s0 =	stileid.u32;
	[bflag:$0x2] =	sbarrier.arrive $0xFFFF  }
0x1a6: {  	p0 =	sne.s32 s0, $0x0;
	s0 =	rddreg [dreg:$0x1]  }
0x1a7: {  	s0 =	sadd.s32 @!p0 $0x100000, s0  }
0x1a8: {  	[sflag:s0] =	ssyncadd.tile.s32 @!p0 $0x1;
	_ =	shalt  }
.Lfunc_end2:
_tile_overlayer_lowered:
.L_overlay_start_2:
0x1a9: {  	(tag) =	ssettag $0x2  }
0x1aa: {  	s0 =	rddreg [dreg:$0x0];
	s2 =	stileid.u32  }
0x1ab: {  	s1 =	rddreg [dreg:$0x1];
	p0 =	sne.s32 s2, $0x0  }
0x1ac: {  	s3 =	rddreg [dreg:$0x2];
	[bflag:$0x3] =	sbarrier.arrive $0xFFFF;
	s2 =	simm.s32 @!p0 $0x1C03  }
0x1ad: {  	[timem:s3], [sflag:s2] =	dma.local @!p0 [hbm:s0], s1  }
0x1ae: {  	s0 =	simm.s32 @!p0 $0x3  }
0x1af: {  	_ =	swait.ge @!p0 [sflag:s0], s1  }
0x1b0: {  	s1 =	ssub.s32 @!p0 $0x0, s1;
	[sflag:s0] =	ssyncset.done @!p0 $0x0  }
0x1b1: {  	[sflag:s0] =	ssyncadd.s32 @!p0 s1  }
0x1b2: {  	[bflag:$0x3] =	sbarrier.arrive $0xFFFF  }
0x1b3: {  	_ =	shalt  }

</sc_bundles>
